<compile_context>
chip_gen: v7x
topology: tpu7x:2x2x1
jax: 0.10.2.dev20260603
libtpu: 0.0.44.dev20260713+nightly
codegen_flags: <defaults>
</compile_context>

<pallas_src>
import functools

import jax
import jax.numpy as jnp
from jax import lax
from jax.experimental import pallas as pl
from jax.experimental.pallas import tpu as pltpu
from jax.experimental.pallas import tpu_sc as plsc

N_NODES = 10000
N_EDGES = 320000
D = 128
DH = D // 2

NC = 2
NS = 16
CH = 128
NBUF = 2
CPW = 160
EPW = CPW * CH
E_PAD = NS * EPW
N_PAD = 10240
STRIPE = N_PAD // NS
DUMMY = N_NODES


def _sc_aggregate(xs, src_p, dst_p, z_rows, z_deg, ones_rows):
  mesh = plsc.VectorSubcoreMesh(core_axis_name="c", subcore_axis_name="s")

  @functools.partial(
      pl.kernel,
      out_type=(
          jax.ShapeDtypeStruct((NC, N_PAD, DH), jnp.float32),
          jax.ShapeDtypeStruct((NC, N_PAD, 16), jnp.float32),
      ),
      mesh=mesh,
      compiler_params=pltpu.CompilerParams(use_tc_tiling_on_sc=False),
      scratch_types=[
          pltpu.VMEM((CPW, CH), jnp.int32),
          pltpu.VMEM((CPW, CH), jnp.int32),
          [pltpu.VMEM((CH, DH), jnp.float32)] * NBUF,
          pltpu.VMEM((CH, 16), jnp.float32),
          pltpu.VMEM((CH, DH), jnp.float32),
          pltpu.VMEM((STRIPE, 16), jnp.float32),
          pltpu.VMEM_SHARED((N_PAD, DH), jnp.float32),
          pltpu.VMEM_SHARED((N_PAD, 16), jnp.float32),
          [pltpu.SemaphoreType.DMA] * NBUF,
          [pltpu.SemaphoreType.DMA] * 2,
          pltpu.SemaphoreType.DMA,
      ],
  )
  def body(x_hbm, src_hbm, dst_hbm, zrow_hbm, zdeg_hbm, ones_hbm,
           agg_out, deg_out,
           src_v, dst_v, rows, ones_v, zrow_v, zdeg_v,
           acc, dacc, gsems, ssems, osem):
    c = lax.axis_index("c")
    s = lax.axis_index("s")

    pltpu.sync_copy(src_hbm.at[s], src_v)
    pltpu.sync_copy(dst_hbm.at[s], dst_v)
    pltpu.sync_copy(zrow_hbm, zrow_v)
    pltpu.sync_copy(zdeg_hbm, zdeg_v)
    pltpu.sync_copy(ones_hbm, ones_v)

    base = s * STRIPE
    for t in range(STRIPE // CH):
      pltpu.sync_copy(zrow_v, acc.at[pl.ds(base + t * CH, CH)])
    pltpu.sync_copy(zdeg_v, dacc.at[pl.ds(base, STRIPE)])
    plsc.subcore_barrier()

    x_half = x_hbm.at[c]

    def g_desc(j, bph):
      return pltpu.make_async_copy(
          x_half.at[src_v.at[j]], rows[bph], gsems[bph])

    def s_start(j, bph):
      pltpu.async_copy(rows[bph], acc.at[dst_v.at[j]], ssems[bph % 2],
                       add=True)

    def s_wait(j, bph):
      pltpu.make_async_copy(rows[bph], acc.at[dst_v.at[j]],
                            ssems[bph % 2]).wait()

    def o_start(j):
      pltpu.async_copy(ones_v, dacc.at[dst_v.at[j]], osem, add=True)

    def o_wait(j):
      pltpu.make_async_copy(ones_v, dacc.at[dst_v.at[j]], osem).wait()

    for j in range(NBUF - 1):
      g_desc(j, j).start()

    @pl.loop(0, CPW, step=NBUF)
    def _(g):
      for bph in range(NBUF):
        j = g + bph

        @pl.when(j >= 1)
        def _():
          s_wait(j - 1, (bph - 1) % NBUF)

        @pl.when(j + NBUF - 1 < CPW)
        def _():
          g_desc(j + NBUF - 1, (bph - 1) % NBUF).start()

        g_desc(j, bph).wait()
        s_start(j, bph)

        @pl.when(c == (j % 2))
        def _():
          @pl.when(j >= 2)
          def _():
            o_wait(j - 2)

          o_start(j)

    s_wait(CPW - 1, (CPW - 1) % NBUF)
    o_wait(0)
    plsc.subcore_barrier()

    for t in range(STRIPE // CH):
      pltpu.sync_copy(acc.at[pl.ds(base + t * CH, CH)], rows[0])
      pltpu.sync_copy(rows[0], agg_out.at[c, pl.ds(base + t * CH, CH)])
    pltpu.sync_copy(dacc.at[pl.ds(base, STRIPE)], zdeg_v)
    pltpu.sync_copy(zdeg_v, deg_out.at[c, pl.ds(base, STRIPE)])

  return body(xs, src_p, dst_p, z_rows, z_deg, ones_rows)


_BR = 1000


def _tc_body(a0, a1, d0, d1, w_ref, b_ref, out_ref):
  deg = d0[0][:, 0:1] + d1[0][:, 0:1]
  inv = 1.0 / jnp.maximum(deg, 1.0)
  h0 = a0[0] * inv
  h1 = a1[0] * inv
  w = w_ref[...]
  out_ref[...] = (
      jnp.dot(h0, w[:DH], preferred_element_type=jnp.float32)
      + jnp.dot(h1, w[DH:], preferred_element_type=jnp.float32)
      + b_ref[...])


def _tc_finish(agg, deg, W, b2):
  return pl.pallas_call(
      _tc_body,
      grid=(N_NODES // _BR,),
      in_specs=[
          pl.BlockSpec((1, _BR, DH), lambda i: (0, i, 0)),
          pl.BlockSpec((1, _BR, DH), lambda i: (1, i, 0)),
          pl.BlockSpec((1, _BR, 16), lambda i: (0, i, 0)),
          pl.BlockSpec((1, _BR, 16), lambda i: (1, i, 0)),
          pl.BlockSpec((D, D), lambda i: (0, 0)),
          pl.BlockSpec((1, D), lambda i: (0, 0)),
      ],
      out_specs=pl.BlockSpec((_BR, D), lambda i: (i, 0)),
      out_shape=jax.ShapeDtypeStruct((N_NODES, D), jnp.float32),
  )(agg, agg, deg, deg, W, b2)


def kernel(x, edge_index, W, b):
  ei = edge_index.astype(jnp.int32)
  pad = E_PAD - N_EDGES
  src_p = jnp.concatenate(
      [ei[0], jnp.zeros((pad,), jnp.int32)]).reshape(NS, CPW, CH)
  dst_p = jnp.concatenate(
      [ei[1], jnp.full((pad,), DUMMY, jnp.int32)]).reshape(NS, CPW, CH)
  xs = x.reshape(N_NODES, NC, DH).transpose(1, 0, 2)
  z_rows = jnp.zeros((CH, DH), jnp.float32)
  z_deg = jnp.zeros((STRIPE, 16), jnp.float32)
  ones_rows = jnp.ones((CH, 16), jnp.float32)
  agg, deg = _sc_aggregate(xs, src_p, dst_p, z_rows, z_deg, ones_rows)
  return _tc_finish(agg, deg, W, b.reshape(1, D))

# --- scband reference (transcript-rebuilt; emitter-appended) ---
"""Pipeline reference for scband-model-79267916415488 (READ-ONLY COPY).

The authoritative reference and input builder live on the scoring server;
editing this copy changes nothing except your own understanding.
"""

import jax, jax.numpy as jnp
import numpy as np

N_NODES = 10000
N_EDGES = 320000
D_IN = 128
D_OUT = 128

def setup_inputs(seed: int = 0) -> dict:
    key = jax.random.key(seed)
    k1, k2, k3, k4, k5 = jax.random.split(key, 5)
    x = jax.random.normal(k1, (N_NODES, D_IN), dtype=jnp.float32)
    edge_index = jax.random.randint(k2, (2, N_EDGES), 0, N_NODES, dtype=jnp.int64)
    W = jax.random.normal(k3, (D_IN, D_OUT), dtype=jnp.float32) * (1.0 / np.sqrt(D_IN))
    b = jnp.zeros((D_OUT,), dtype=jnp.float32)
    return {"x": x, "edge_index": edge_index, "W": W, "b": b}

def reference(x, edge_index, W, b):
    # Graph message passing (OcGCN layer approximation):
    # gather source-node features along edges, scatter-add (segment_sum)
    # into destination nodes, mean-normalize by in-degree, then a dense
    # linear transform.
    src = edge_index[0]
    dst = edge_index[1]
    msgs = jnp.take(x, src, axis=0)                                   # gather  [E, d]
    agg = jax.ops.segment_sum(msgs, dst, num_segments=x.shape[0])     # scatter-add [N, d]
    deg = jax.ops.segment_sum(jnp.ones((src.shape[0],), jnp.float32), dst,
                              num_segments=x.shape[0])
    h = agg / jnp.maximum(deg, 1.0)[:, None]                          # mean aggregation
    out = h @ W + b
    return out

if __name__ == "__main__":
    import jax
    _d = setup_inputs()
    print(jax.jit(kernel)(*tuple(_d.values())))

</pallas_src>

<mosaic_0001>
#map = affine_map<(d0, d1) -> (0, 0, 0)>
#map1 = affine_map<(d0, d1) -> (0, 0)>
module attributes {stable_mosaic.version = 14 : i64} {
  func.func @body(%arg0: i32, %arg1: i32, %arg2: memref<2x10000x64xf32, #tpu.memory_space<hbm>>, %arg3: memref<16x160x128xi32, #tpu.memory_space<hbm>>, %arg4: memref<16x160x128xi32, #tpu.memory_space<hbm>>, %arg5: memref<128x64xf32, #tpu.memory_space<hbm>>, %arg6: memref<640x16xf32, #tpu.memory_space<hbm>>, %arg7: memref<128x16xf32, #tpu.memory_space<hbm>>, %arg8: memref<2x10240x64xf32, #tpu.memory_space<hbm>>, %arg9: memref<2x10240x16xf32, #tpu.memory_space<hbm>>, %arg10: memref<160x128xi32, #tpu.memory_space<vmem>>, %arg11: memref<160x128xi32, #tpu.memory_space<vmem>>, %arg12: memref<128x64xf32, #tpu.memory_space<vmem>>, %arg13: memref<128x64xf32, #tpu.memory_space<vmem>>, %arg14: memref<128x16xf32, #tpu.memory_space<vmem>>, %arg15: memref<128x64xf32, #tpu.memory_space<vmem>>, %arg16: memref<640x16xf32, #tpu.memory_space<vmem>>, %arg17: memref<10240x64xf32, #tpu.memory_space<vmem_shared>>, %arg18: memref<10240x16xf32, #tpu.memory_space<vmem_shared>>, %arg19: memref<!tpu.dma_semaphore, #tpu.memory_space<semaphore_mem>>, %arg20: memref<!tpu.dma_semaphore, #tpu.memory_space<semaphore_mem>>, %arg21: memref<!tpu.dma_semaphore, #tpu.memory_space<semaphore_mem>>, %arg22: memref<!tpu.dma_semaphore, #tpu.memory_space<semaphore_mem>>, %arg23: memref<!tpu.dma_semaphore, #tpu.memory_space<semaphore_mem>>) attributes {dimension_semantics = [#tpu.dimension_semantics<core_parallel>, #tpu.dimension_semantics<subcore_parallel>], iteration_bounds = array<i64: 2, 16>, scalar_prefetch = 0 : i64, scratch_operands = 14 : i64, tpu.core_type = #tpu.core_type<sc_vector_subcore>, window_params = [{transform_indices = #map}, {transform_indices = #map}, {transform_indices = #map}, {transform_indices = #map1}, {transform_indices = #map1}, {transform_indices = #map1}, {transform_indices = #map}, {transform_indices = #map}]} {
    "tpu.region"() ({
      %run_scoped3A = tpu.sem_alloc : memref<!tpu.dma_semaphore, #tpu.memory_space<semaphore_mem>>
      %dma_start3A_58 = arith.constant 0 : i32
      %dma_start3A_59 = arith.constant 0 : i32
      %dma_start3A_60 = tpu.memref_slice %arg3[%arg1, %dma_start3A_58, %dma_start3A_59] : memref<16x160x128xi32, #tpu.memory_space<hbm>> -> memref<1x160x128xi32, #tpu.memory_space<hbm>>
      %dma_start3A_61 = tpu.memref_squeeze %dma_start3A_60 : memref<1x160x128xi32, #tpu.memory_space<hbm>> -> memref<160x128xi32, #tpu.memory_space<hbm>>
      %dma_start3A_62 = arith.constant 0 : i32
      %dma_start3A_63 = arith.constant 0 : i32
      %dma_start3A_64 = tpu.memref_slice %arg3[%arg1, %dma_start3A_62, %dma_start3A_63] : memref<16x160x128xi32, #tpu.memory_space<hbm>> -> memref<1x160x128xi32, #tpu.memory_space<hbm>>
      %dma_start3A_65 = tpu.memref_squeeze %dma_start3A_64 : memref<1x160x128xi32, #tpu.memory_space<hbm>> -> memref<160x128xi32, #tpu.memory_space<hbm>>
      tpu.enqueue_dma source(%dma_start3A_65 : memref<160x128xi32, #tpu.memory_space<hbm>>) target(%arg10 : memref<160x128xi32, #tpu.memory_space<vmem>>) target_semaphore(%run_scoped3A : memref<!tpu.dma_semaphore, #tpu.memory_space<semaphore_mem>>)
      %dma_wait3A_66 = arith.constant 0 : i32
      %dma_wait3A_67 = arith.constant 0 : i32
      %dma_wait3A_68 = tpu.memref_slice %arg3[%arg1, %dma_wait3A_66, %dma_wait3A_67] : memref<16x160x128xi32, #tpu.memory_space<hbm>> -> memref<1x160x128xi32, #tpu.memory_space<hbm>>
      %dma_wait3A_69 = tpu.memref_squeeze %dma_wait3A_68 : memref<1x160x128xi32, #tpu.memory_space<hbm>> -> memref<160x128xi32, #tpu.memory_space<hbm>>
      %dma_wait3A_70 = arith.constant 0 : i32
      %dma_wait3A_71 = arith.constant 0 : i32
      %dma_wait3A_72 = tpu.memref_slice %arg3[%arg1, %dma_wait3A_70, %dma_wait3A_71] : memref<16x160x128xi32, #tpu.memory_space<hbm>> -> memref<1x160x128xi32, #tpu.memory_space<hbm>>
      %dma_wait3A_73 = tpu.memref_squeeze %dma_wait3A_72 : memref<1x160x128xi32, #tpu.memory_space<hbm>> -> memref<160x128xi32, #tpu.memory_space<hbm>>
      tpu.wait_dma2 semaphore(%run_scoped3A : memref<!tpu.dma_semaphore, #tpu.memory_space<semaphore_mem>>) src(%dma_wait3A_73 : memref<160x128xi32, #tpu.memory_space<hbm>>) dst(%arg10 : memref<160x128xi32, #tpu.memory_space<vmem>>)
      tpu.yield
    }) : () -> ()
    "tpu.region"() ({
      %run_scoped3A = tpu.sem_alloc : memref<!tpu.dma_semaphore, #tpu.memory_space<semaphore_mem>>
      %dma_start3A_58 = arith.constant 0 : i32
      %dma_start3A_59 = arith.constant 0 : i32
      %dma_start3A_60 = tpu.memref_slice %arg4[%arg1, %dma_start3A_58, %dma_start3A_59] : memref<16x160x128xi32, #tpu.memory_space<hbm>> -> memref<1x160x128xi32, #tpu.memory_space<hbm>>
      %dma_start3A_61 = tpu.memref_squeeze %dma_start3A_60 : memref<1x160x128xi32, #tpu.memory_space<hbm>> -> memref<160x128xi32, #tpu.memory_space<hbm>>
      %dma_start3A_62 = arith.constant 0 : i32
      %dma_start3A_63 = arith.constant 0 : i32
      %dma_start3A_64 = tpu.memref_slice %arg4[%arg1, %dma_start3A_62, %dma_start3A_63] : memref<16x160x128xi32, #tpu.memory_space<hbm>> -> memref<1x160x128xi32, #tpu.memory_space<hbm>>
      %dma_start3A_65 = tpu.memref_squeeze %dma_start3A_64 : memref<1x160x128xi32, #tpu.memory_space<hbm>> -> memref<160x128xi32, #tpu.memory_space<hbm>>
      tpu.enqueue_dma source(%dma_start3A_65 : memref<160x128xi32, #tpu.memory_space<hbm>>) target(%arg11 : memref<160x128xi32, #tpu.memory_space<vmem>>) target_semaphore(%run_scoped3A : memref<!tpu.dma_semaphore, #tpu.memory_space<semaphore_mem>>)
      %dma_wait3A_66 = arith.constant 0 : i32
      %dma_wait3A_67 = arith.constant 0 : i32
      %dma_wait3A_68 = tpu.memref_slice %arg4[%arg1, %dma_wait3A_66, %dma_wait3A_67] : memref<16x160x128xi32, #tpu.memory_space<hbm>> -> memref<1x160x128xi32, #tpu.memory_space<hbm>>
      %dma_wait3A_69 = tpu.memref_squeeze %dma_wait3A_68 : memref<1x160x128xi32, #tpu.memory_space<hbm>> -> memref<160x128xi32, #tpu.memory_space<hbm>>
      %dma_wait3A_70 = arith.constant 0 : i32
      %dma_wait3A_71 = arith.constant 0 : i32
      %dma_wait3A_72 = tpu.memref_slice %arg4[%arg1, %dma_wait3A_70, %dma_wait3A_71] : memref<16x160x128xi32, #tpu.memory_space<hbm>> -> memref<1x160x128xi32, #tpu.memory_space<hbm>>
      %dma_wait3A_73 = tpu.memref_squeeze %dma_wait3A_72 : memref<1x160x128xi32, #tpu.memory_space<hbm>> -> memref<160x128xi32, #tpu.memory_space<hbm>>
      tpu.wait_dma2 semaphore(%run_scoped3A : memref<!tpu.dma_semaphore, #tpu.memory_space<semaphore_mem>>) src(%dma_wait3A_73 : memref<160x128xi32, #tpu.memory_space<hbm>>) dst(%arg11 : memref<160x128xi32, #tpu.memory_space<vmem>>)
      tpu.yield
    }) : () -> ()
    "tpu.region"() ({
      %run_scoped3A = tpu.sem_alloc : memref<!tpu.dma_semaphore, #tpu.memory_space<semaphore_mem>>
      tpu.enqueue_dma source(%arg5 : memref<128x64xf32, #tpu.memory_space<hbm>>) target(%arg15 : memref<128x64xf32, #tpu.memory_space<vmem>>) target_semaphore(%run_scoped3A : memref<!tpu.dma_semaphore, #tpu.memory_space<semaphore_mem>>)
      tpu.wait_dma2 semaphore(%run_scoped3A : memref<!tpu.dma_semaphore, #tpu.memory_space<semaphore_mem>>) src(%arg5 : memref<128x64xf32, #tpu.memory_space<hbm>>) dst(%arg15 : memref<128x64xf32, #tpu.memory_space<vmem>>)
      tpu.yield
    }) : () -> ()
    "tpu.region"() ({
      %run_scoped3A = tpu.sem_alloc : memref<!tpu.dma_semaphore, #tpu.memory_space<semaphore_mem>>
      tpu.enqueue_dma source(%arg6 : memref<640x16xf32, #tpu.memory_space<hbm>>) target(%arg16 : memref<640x16xf32, #tpu.memory_space<vmem>>) target_semaphore(%run_scoped3A : memref<!tpu.dma_semaphore, #tpu.memory_space<semaphore_mem>>)
      tpu.wait_dma2 semaphore(%run_scoped3A : memref<!tpu.dma_semaphore, #tpu.memory_space<semaphore_mem>>) src(%arg6 : memref<640x16xf32, #tpu.memory_space<hbm>>) dst(%arg16 : memref<640x16xf32, #tpu.memory_space<vmem>>)
      tpu.yield
    }) : () -> ()
    "tpu.region"() ({
      %run_scoped3A = tpu.sem_alloc : memref<!tpu.dma_semaphore, #tpu.memory_space<semaphore_mem>>
      tpu.enqueue_dma source(%arg7 : memref<128x16xf32, #tpu.memory_space<hbm>>) target(%arg14 : memref<128x16xf32, #tpu.memory_space<vmem>>) target_semaphore(%run_scoped3A : memref<!tpu.dma_semaphore, #tpu.memory_space<semaphore_mem>>)
      tpu.wait_dma2 semaphore(%run_scoped3A : memref<!tpu.dma_semaphore, #tpu.memory_space<semaphore_mem>>) src(%arg7 : memref<128x16xf32, #tpu.memory_space<hbm>>) dst(%arg14 : memref<128x16xf32, #tpu.memory_space<vmem>>)
      tpu.yield
    }) : () -> ()
    %mul3A = arith.constant 640 : i32
    %mul3A_0 = arith.muli %arg1, %mul3A : i32
    %add3A = arith.constant 0 : i32
    %add3A_1 = arith.addi %mul3A_0, %add3A : i32
    "tpu.region"() ({
      %run_scoped3A = tpu.sem_alloc : memref<!tpu.dma_semaphore, #tpu.memory_space<semaphore_mem>>
      %dma_start3A_58 = arith.constant 0 : i32
      %dma_start3A_59 = tpu.memref_slice %arg17[%add3A_1, %dma_start3A_58] : memref<10240x64xf32, #tpu.memory_space<vmem_shared>> -> memref<128x64xf32, #tpu.memory_space<vmem_shared>>
      %dma_start3A_60 = arith.constant 0 : i32
      %dma_start3A_61 = tpu.memref_slice %arg17[%add3A_1, %dma_start3A_60] : memref<10240x64xf32, #tpu.memory_space<vmem_shared>> -> memref<128x64xf32, #tpu.memory_space<vmem_shared>>
      tpu.enqueue_dma source(%arg15 : memref<128x64xf32, #tpu.memory_space<vmem>>) target(%dma_start3A_61 : memref<128x64xf32, #tpu.memory_space<vmem_shared>>) target_semaphore(%run_scoped3A : memref<!tpu.dma_semaphore, #tpu.memory_space<semaphore_mem>>)
      %dma_wait3A_62 = arith.constant 0 : i32
      %dma_wait3A_63 = tpu.memref_slice %arg17[%add3A_1, %dma_wait3A_62] : memref<10240x64xf32, #tpu.memory_space<vmem_shared>> -> memref<128x64xf32, #tpu.memory_space<vmem_shared>>
      %dma_wait3A_64 = arith.constant 0 : i32
      %dma_wait3A_65 = tpu.memref_slice %arg17[%add3A_1, %dma_wait3A_64] : memref<10240x64xf32, #tpu.memory_space<vmem_shared>> -> memref<128x64xf32, #tpu.memory_space<vmem_shared>>
      tpu.wait_dma2 semaphore(%run_scoped3A : memref<!tpu.dma_semaphore, #tpu.memory_space<semaphore_mem>>) src(%arg15 : memref<128x64xf32, #tpu.memory_space<vmem>>) dst(%dma_wait3A_65 : memref<128x64xf32, #tpu.memory_space<vmem_shared>>)
      tpu.yield
    }) : () -> ()
    %add3A_2 = arith.constant 128 : i32
    %add3A_3 = arith.addi %mul3A_0, %add3A_2 : i32
    "tpu.region"() ({
      %run_scoped3A = tpu.sem_alloc : memref<!tpu.dma_semaphore, #tpu.memory_space<semaphore_mem>>
      %dma_start3A_58 = arith.constant 0 : i32
      %dma_start3A_59 = tpu.memref_slice %arg17[%add3A_3, %dma_start3A_58] : memref<10240x64xf32, #tpu.memory_space<vmem_shared>> -> memref<128x64xf32, #tpu.memory_space<vmem_shared>>
      %dma_start3A_60 = arith.constant 0 : i32
      %dma_start3A_61 = tpu.memref_slice %arg17[%add3A_3, %dma_start3A_60] : memref<10240x64xf32, #tpu.memory_space<vmem_shared>> -> memref<128x64xf32, #tpu.memory_space<vmem_shared>>
      tpu.enqueue_dma source(%arg15 : memref<128x64xf32, #tpu.memory_space<vmem>>) target(%dma_start3A_61 : memref<128x64xf32, #tpu.memory_space<vmem_shared>>) target_semaphore(%run_scoped3A : memref<!tpu.dma_semaphore, #tpu.memory_space<semaphore_mem>>)
      %dma_wait3A_62 = arith.constant 0 : i32
      %dma_wait3A_63 = tpu.memref_slice %arg17[%add3A_3, %dma_wait3A_62] : memref<10240x64xf32, #tpu.memory_space<vmem_shared>> -> memref<128x64xf32, #tpu.memory_space<vmem_shared>>
      %dma_wait3A_64 = arith.constant 0 : i32
      %dma_wait3A_65 = tpu.memref_slice %arg17[%add3A_3, %dma_wait3A_64] : memref<10240x64xf32, #tpu.memory_space<vmem_shared>> -> memref<128x64xf32, #tpu.memory_space<vmem_shared>>
      tpu.wait_dma2 semaphore(%run_scoped3A : memref<!tpu.dma_semaphore, #tpu.memory_space<semaphore_mem>>) src(%arg15 : memref<128x64xf32, #tpu.memory_space<vmem>>) dst(%dma_wait3A_65 : memref<128x64xf32, #tpu.memory_space<vmem_shared>>)
      tpu.yield
    }) : () -> ()
    %add3A_4 = arith.constant 256 : i32
    %add3A_5 = arith.addi %mul3A_0, %add3A_4 : i32
    "tpu.region"() ({
      %run_scoped3A = tpu.sem_alloc : memref<!tpu.dma_semaphore, #tpu.memory_space<semaphore_mem>>
      %dma_start3A_58 = arith.constant 0 : i32
      %dma_start3A_59 = tpu.memref_slice %arg17[%add3A_5, %dma_start3A_58] : memref<10240x64xf32, #tpu.memory_space<vmem_shared>> -> memref<128x64xf32, #tpu.memory_space<vmem_shared>>
      %dma_start3A_60 = arith.constant 0 : i32
      %dma_start3A_61 = tpu.memref_slice %arg17[%add3A_5, %dma_start3A_60] : memref<10240x64xf32, #tpu.memory_space<vmem_shared>> -> memref<128x64xf32, #tpu.memory_space<vmem_shared>>
      tpu.enqueue_dma source(%arg15 : memref<128x64xf32, #tpu.memory_space<vmem>>) target(%dma_start3A_61 : memref<128x64xf32, #tpu.memory_space<vmem_shared>>) target_semaphore(%run_scoped3A : memref<!tpu.dma_semaphore, #tpu.memory_space<semaphore_mem>>)
      %dma_wait3A_62 = arith.constant 0 : i32
      %dma_wait3A_63 = tpu.memref_slice %arg17[%add3A_5, %dma_wait3A_62] : memref<10240x64xf32, #tpu.memory_space<vmem_shared>> -> memref<128x64xf32, #tpu.memory_space<vmem_shared>>
      %dma_wait3A_64 = arith.constant 0 : i32
      %dma_wait3A_65 = tpu.memref_slice %arg17[%add3A_5, %dma_wait3A_64] : memref<10240x64xf32, #tpu.memory_space<vmem_shared>> -> memref<128x64xf32, #tpu.memory_space<vmem_shared>>
      tpu.wait_dma2 semaphore(%run_scoped3A : memref<!tpu.dma_semaphore, #tpu.memory_space<semaphore_mem>>) src(%arg15 : memref<128x64xf32, #tpu.memory_space<vmem>>) dst(%dma_wait3A_65 : memref<128x64xf32, #tpu.memory_space<vmem_shared>>)
      tpu.yield
    }) : () -> ()
    %add3A_6 = arith.constant 384 : i32
    %add3A_7 = arith.addi %mul3A_0, %add3A_6 : i32
    "tpu.region"() ({
      %run_scoped3A = tpu.sem_alloc : memref<!tpu.dma_semaphore, #tpu.memory_space<semaphore_mem>>
      %dma_start3A_58 = arith.constant 0 : i32
      %dma_start3A_59 = tpu.memref_slice %arg17[%add3A_7, %dma_start3A_58] : memref<10240x64xf32, #tpu.memory_space<vmem_shared>> -> memref<128x64xf32, #tpu.memory_space<vmem_shared>>
      %dma_start3A_60 = arith.constant 0 : i32
      %dma_start3A_61 = tpu.memref_slice %arg17[%add3A_7, %dma_start3A_60] : memref<10240x64xf32, #tpu.memory_space<vmem_shared>> -> memref<128x64xf32, #tpu.memory_space<vmem_shared>>
      tpu.enqueue_dma source(%arg15 : memref<128x64xf32, #tpu.memory_space<vmem>>) target(%dma_start3A_61 : memref<128x64xf32, #tpu.memory_space<vmem_shared>>) target_semaphore(%run_scoped3A : memref<!tpu.dma_semaphore, #tpu.memory_space<semaphore_mem>>)
      %dma_wait3A_62 = arith.constant 0 : i32
      %dma_wait3A_63 = tpu.memref_slice %arg17[%add3A_7, %dma_wait3A_62] : memref<10240x64xf32, #tpu.memory_space<vmem_shared>> -> memref<128x64xf32, #tpu.memory_space<vmem_shared>>
      %dma_wait3A_64 = arith.constant 0 : i32
      %dma_wait3A_65 = tpu.memref_slice %arg17[%add3A_7, %dma_wait3A_64] : memref<10240x64xf32, #tpu.memory_space<vmem_shared>> -> memref<128x64xf32, #tpu.memory_space<vmem_shared>>
      tpu.wait_dma2 semaphore(%run_scoped3A : memref<!tpu.dma_semaphore, #tpu.memory_space<semaphore_mem>>) src(%arg15 : memref<128x64xf32, #tpu.memory_space<vmem>>) dst(%dma_wait3A_65 : memref<128x64xf32, #tpu.memory_space<vmem_shared>>)
      tpu.yield
    }) : () -> ()
    %add3A_8 = arith.constant 512 : i32
    %add3A_9 = arith.addi %mul3A_0, %add3A_8 : i32
    "tpu.region"() ({
      %run_scoped3A = tpu.sem_alloc : memref<!tpu.dma_semaphore, #tpu.memory_space<semaphore_mem>>
      %dma_start3A_58 = arith.constant 0 : i32
      %dma_start3A_59 = tpu.memref_slice %arg17[%add3A_9, %dma_start3A_58] : memref<10240x64xf32, #tpu.memory_space<vmem_shared>> -> memref<128x64xf32, #tpu.memory_space<vmem_shared>>
      %dma_start3A_60 = arith.constant 0 : i32
      %dma_start3A_61 = tpu.memref_slice %arg17[%add3A_9, %dma_start3A_60] : memref<10240x64xf32, #tpu.memory_space<vmem_shared>> -> memref<128x64xf32, #tpu.memory_space<vmem_shared>>
      tpu.enqueue_dma source(%arg15 : memref<128x64xf32, #tpu.memory_space<vmem>>) target(%dma_start3A_61 : memref<128x64xf32, #tpu.memory_space<vmem_shared>>) target_semaphore(%run_scoped3A : memref<!tpu.dma_semaphore, #tpu.memory_space<semaphore_mem>>)
      %dma_wait3A_62 = arith.constant 0 : i32
      %dma_wait3A_63 = tpu.memref_slice %arg17[%add3A_9, %dma_wait3A_62] : memref<10240x64xf32, #tpu.memory_space<vmem_shared>> -> memref<128x64xf32, #tpu.memory_space<vmem_shared>>
      %dma_wait3A_64 = arith.constant 0 : i32
      %dma_wait3A_65 = tpu.memref_slice %arg17[%add3A_9, %dma_wait3A_64] : memref<10240x64xf32, #tpu.memory_space<vmem_shared>> -> memref<128x64xf32, #tpu.memory_space<vmem_shared>>
      tpu.wait_dma2 semaphore(%run_scoped3A : memref<!tpu.dma_semaphore, #tpu.memory_space<semaphore_mem>>) src(%arg15 : memref<128x64xf32, #tpu.memory_space<vmem>>) dst(%dma_wait3A_65 : memref<128x64xf32, #tpu.memory_space<vmem_shared>>)
      tpu.yield
    }) : () -> ()
    "tpu.region"() ({
      %run_scoped3A = tpu.sem_alloc : memref<!tpu.dma_semaphore, #tpu.memory_space<semaphore_mem>>
      %dma_start3A_58 = arith.constant 0 : i32
      %dma_start3A_59 = tpu.memref_slice %arg18[%mul3A_0, %dma_start3A_58] : memref<10240x16xf32, #tpu.memory_space<vmem_shared>> -> memref<640x16xf32, #tpu.memory_space<vmem_shared>>
      %dma_start3A_60 = arith.constant 0 : i32
      %dma_start3A_61 = tpu.memref_slice %arg18[%mul3A_0, %dma_start3A_60] : memref<10240x16xf32, #tpu.memory_space<vmem_shared>> -> memref<640x16xf32, #tpu.memory_space<vmem_shared>>
      tpu.enqueue_dma source(%arg16 : memref<640x16xf32, #tpu.memory_space<vmem>>) target(%dma_start3A_61 : memref<640x16xf32, #tpu.memory_space<vmem_shared>>) target_semaphore(%run_scoped3A : memref<!tpu.dma_semaphore, #tpu.memory_space<semaphore_mem>>)
      %dma_wait3A_62 = arith.constant 0 : i32
      %dma_wait3A_63 = tpu.memref_slice %arg18[%mul3A_0, %dma_wait3A_62] : memref<10240x16xf32, #tpu.memory_space<vmem_shared>> -> memref<640x16xf32, #tpu.memory_space<vmem_shared>>
      %dma_wait3A_64 = arith.constant 0 : i32
      %dma_wait3A_65 = tpu.memref_slice %arg18[%mul3A_0, %dma_wait3A_64] : memref<10240x16xf32, #tpu.memory_space<vmem_shared>> -> memref<640x16xf32, #tpu.memory_space<vmem_shared>>
      tpu.wait_dma2 semaphore(%run_scoped3A : memref<!tpu.dma_semaphore, #tpu.memory_space<semaphore_mem>>) src(%arg16 : memref<640x16xf32, #tpu.memory_space<vmem>>) dst(%dma_wait3A_65 : memref<640x16xf32, #tpu.memory_space<vmem_shared>>)
      tpu.yield
    }) : () -> ()
    %barrier3A = arith.constant 0 : index
    tpu.barrier barrier_id(%barrier3A)
    %dma_start3A = arith.constant 0 : i32
    %dma_start3A_10 = arith.constant 0 : i32
    %dma_start3A_11 = tpu.memref_slice %arg10[%dma_start3A, %dma_start3A_10] : memref<160x128xi32, #tpu.memory_space<vmem>> -> memref<1x128xi32, #tpu.memory_space<vmem>>
    %dma_start3A_12 = tpu.memref_squeeze %dma_start3A_11 : memref<1x128xi32, #tpu.memory_space<vmem>> -> memref<128xi32, #tpu.memory_space<vmem>>
    %dma_start3A_13 = arith.constant 0 : i32
    %dma_start3A_14 = arith.constant 0 : i32
    %dma_start3A_15 = tpu.memref_slice %arg2[%arg0, %dma_start3A_13, %dma_start3A_14] : memref<2x10000x64xf32, #tpu.memory_space<hbm>> -> memref<1x10000x64xf32, #tpu.memory_space<hbm>>
    %dma_start3A_16 = tpu.memref_squeeze %dma_start3A_15 : memref<1x10000x64xf32, #tpu.memory_space<hbm>> -> memref<10000x64xf32, #tpu.memory_space<hbm>>
    %dma_start3A_17 = arith.constant 0 : i32
    %dma_start3A_18 = arith.constant 0 : i32
    %dma_start3A_19 = tpu.memref_slice %dma_start3A_16[%dma_start3A_17, %dma_start3A_18] : memref<10000x64xf32, #tpu.memory_space<hbm>> -> memref<10000x64xf32, #tpu.memory_space<hbm>>
    tpu.enqueue_indirect_dma source(%dma_start3A_19 : memref<10000x64xf32, #tpu.memory_space<hbm>>) target(%arg12 : memref<128x64xf32, #tpu.memory_space<vmem>>) offsets(%dma_start3A_12 : memref<128xi32, #tpu.memory_space<vmem>>) semaphore(%arg19 : memref<!tpu.dma_semaphore, #tpu.memory_space<semaphore_mem>>)
    %scan3A = arith.constant 0 : i32
    %scan3A_20 = arith.constant 80 : i32
    %scan3A_21 = arith.addi %scan3A, %scan3A_20 : i32
    %scan3A_22 = arith.constant 1 : i32
    scf.for %scan3A_58 = %scan3A to %scan3A_21 step %scan3A_22  : i32 {
      %mul3A_59 = arith.constant 2 : i32
      %mul3A_60 = arith.muli %scan3A_58, %mul3A_59 : i32
      %add3A_61 = arith.constant 0 : i32
      %add3A_62 = arith.addi %add3A_61, %mul3A_60 : i32
      %add3A_63 = arith.constant 0 : i32
      %add3A_64 = arith.addi %add3A_62, %add3A_63 : i32
      %ge3A = arith.constant 1 : i32
      %ge3A_65 = arith.cmpi sge, %add3A_64, %ge3A : i32
      %convert_element_type3A = arith.extui %ge3A_65 : i1 to i32
      %cond3A = arith.constant 0 : i32
      %cond3A_66 = arith.cmpi ne, %convert_element_type3A, %cond3A : i32
      scf.if %cond3A_66 {
        %sub3A_156 = arith.constant 1 : i32
        %sub3A_157 = arith.subi %add3A_64, %sub3A_156 : i32
        %dma_wait3A_158 = arith.constant 0 : i32
        %dma_wait3A_159 = tpu.memref_slice %arg11[%sub3A_157, %dma_wait3A_158] : memref<160x128xi32, #tpu.memory_space<vmem>> -> memref<1x128xi32, #tpu.memory_space<vmem>>
        %dma_wait3A_160 = tpu.memref_squeeze %dma_wait3A_159 : memref<1x128xi32, #tpu.memory_space<vmem>> -> memref<128xi32, #tpu.memory_space<vmem>>
        %dma_wait3A_161 = arith.constant 0 : i32
        %dma_wait3A_162 = arith.constant 0 : i32
        %dma_wait3A_163 = tpu.memref_slice %arg17[%dma_wait3A_161, %dma_wait3A_162] : memref<10240x64xf32, #tpu.memory_space<vmem_shared>> -> memref<10240x64xf32, #tpu.memory_space<vmem_shared>>
        tpu.wait_indirect_dma semaphore(%arg22 : memref<!tpu.dma_semaphore, #tpu.memory_space<semaphore_mem>>) src(%arg13 : memref<128x64xf32, #tpu.memory_space<vmem>>) dst(%dma_wait3A_163 : memref<10240x64xf32, #tpu.memory_space<vmem_shared>>)
      } else {
      }
      %add3A_67 = arith.constant 2 : i32
      %add3A_68 = arith.addi %add3A_64, %add3A_67 : i32
      %sub3A = arith.constant 1 : i32
      %sub3A_69 = arith.subi %add3A_68, %sub3A : i32
      %lt3A = arith.constant 160 : i32
      %lt3A_70 = arith.cmpi slt, %sub3A_69, %lt3A : i32
      %convert_element_type3A_71 = arith.extui %lt3A_70 : i1 to i32
      %cond3A_72 = arith.constant 0 : i32
      %cond3A_73 = arith.cmpi ne, %convert_element_type3A_71, %cond3A_72 : i32
      scf.if %cond3A_73 {
        %add3A_156 = arith.constant 2 : i32
        %add3A_157 = arith.addi %add3A_64, %add3A_156 : i32
        %sub3A_158 = arith.constant 1 : i32
        %sub3A_159 = arith.subi %add3A_157, %sub3A_158 : i32
        %dma_start3A_160 = arith.constant 0 : i32
        %dma_start3A_161 = tpu.memref_slice %arg10[%sub3A_159, %dma_start3A_160] : memref<160x128xi32, #tpu.memory_space<vmem>> -> memref<1x128xi32, #tpu.memory_space<vmem>>
        %dma_start3A_162 = tpu.memref_squeeze %dma_start3A_161 : memref<1x128xi32, #tpu.memory_space<vmem>> -> memref<128xi32, #tpu.memory_space<vmem>>
        %dma_start3A_163 = arith.constant 0 : i32
        %dma_start3A_164 = arith.constant 0 : i32
        %dma_start3A_165 = tpu.memref_slice %arg2[%arg0, %dma_start3A_163, %dma_start3A_164] : memref<2x10000x64xf32, #tpu.memory_space<hbm>> -> memref<1x10000x64xf32, #tpu.memory_space<hbm>>
        %dma_start3A_166 = tpu.memref_squeeze %dma_start3A_165 : memref<1x10000x64xf32, #tpu.memory_space<hbm>> -> memref<10000x64xf32, #tpu.memory_space<hbm>>
        %dma_start3A_167 = arith.constant 0 : i32
        %dma_start3A_168 = arith.constant 0 : i32
        %dma_start3A_169 = tpu.memref_slice %dma_start3A_166[%dma_start3A_167, %dma_start3A_168] : memref<10000x64xf32, #tpu.memory_space<hbm>> -> memref<10000x64xf32, #tpu.memory_space<hbm>>
        tpu.enqueue_indirect_dma source(%dma_start3A_169 : memref<10000x64xf32, #tpu.memory_space<hbm>>) target(%arg13 : memref<128x64xf32, #tpu.memory_space<vmem>>) offsets(%dma_start3A_162 : memref<128xi32, #tpu.memory_space<vmem>>) semaphore(%arg20 : memref<!tpu.dma_semaphore, #tpu.memory_space<semaphore_mem>>)
      } else {
      }
      %dma_wait3A_74 = arith.constant 0 : i32
      %dma_wait3A_75 = tpu.memref_slice %arg10[%add3A_64, %dma_wait3A_74] : memref<160x128xi32, #tpu.memory_space<vmem>> -> memref<1x128xi32, #tpu.memory_space<vmem>>
      %dma_wait3A_76 = tpu.memref_squeeze %dma_wait3A_75 : memref<1x128xi32, #tpu.memory_space<vmem>> -> memref<128xi32, #tpu.memory_space<vmem>>
      %dma_wait3A_77 = arith.constant 0 : i32
      %dma_wait3A_78 = arith.constant 0 : i32
      %dma_wait3A_79 = tpu.memref_slice %arg2[%arg0, %dma_wait3A_77, %dma_wait3A_78] : memref<2x10000x64xf32, #tpu.memory_space<hbm>> -> memref<1x10000x64xf32, #tpu.memory_space<hbm>>
      %dma_wait3A_80 = tpu.memref_squeeze %dma_wait3A_79 : memref<1x10000x64xf32, #tpu.memory_space<hbm>> -> memref<10000x64xf32, #tpu.memory_space<hbm>>
      %dma_wait3A_81 = arith.constant 0 : i32
      %dma_wait3A_82 = arith.constant 0 : i32
      %dma_wait3A_83 = tpu.memref_slice %dma_wait3A_80[%dma_wait3A_81, %dma_wait3A_82] : memref<10000x64xf32, #tpu.memory_space<hbm>> -> memref<10000x64xf32, #tpu.memory_space<hbm>>
      tpu.wait_indirect_dma semaphore(%arg19 : memref<!tpu.dma_semaphore, #tpu.memory_space<semaphore_mem>>) src(%dma_wait3A_83 : memref<10000x64xf32, #tpu.memory_space<hbm>>) dst(%arg12 : memref<128x64xf32, #tpu.memory_space<vmem>>)
      %dma_start3A_84 = arith.constant 0 : i32
      %dma_start3A_85 = tpu.memref_slice %arg11[%add3A_64, %dma_start3A_84] : memref<160x128xi32, #tpu.memory_space<vmem>> -> memref<1x128xi32, #tpu.memory_space<vmem>>
      %dma_start3A_86 = tpu.memref_squeeze %dma_start3A_85 : memref<1x128xi32, #tpu.memory_space<vmem>> -> memref<128xi32, #tpu.memory_space<vmem>>
      %dma_start3A_87 = arith.constant 0 : i32
      %dma_start3A_88 = arith.constant 0 : i32
      %dma_start3A_89 = tpu.memref_slice %arg17[%dma_start3A_87, %dma_start3A_88] : memref<10240x64xf32, #tpu.memory_space<vmem_shared>> -> memref<10240x64xf32, #tpu.memory_space<vmem_shared>>
      tpu.enqueue_indirect_dma source(%arg12 : memref<128x64xf32, #tpu.memory_space<vmem>>) target(%dma_start3A_89 : memref<10240x64xf32, #tpu.memory_space<vmem_shared>>) offsets(%dma_start3A_86 : memref<128xi32, #tpu.memory_space<vmem>>) semaphore(%arg21 : memref<!tpu.dma_semaphore, #tpu.memory_space<semaphore_mem>>) {add = true}
      %jit3A = arith.constant 2 : i32
      %eq3A = arith.constant 0 : i32
      %eq3A_90 = arith.cmpi eq, %jit3A, %eq3A : i32
      %jit3A_91 = arith.constant 1 : i32
      %select_n3A = arith.select %eq3A_90, %jit3A_91, %jit3A : i32
      %rem3A = arith.remsi %add3A_64, %select_n3A : i32
      %ne3A = arith.constant 0 : i32
      %ne3A_92 = arith.cmpi ne, %rem3A, %ne3A : i32
      %lt3A_93 = arith.constant 0 : i32
      %lt3A_94 = arith.cmpi slt, %rem3A, %lt3A_93 : i32
      %lt3A_95 = arith.constant 0 : i32
      %lt3A_96 = arith.cmpi slt, %select_n3A, %lt3A_95 : i32
      %ne3A_97 = arith.xori %lt3A_94, %lt3A_96 : i1
      %and3A = arith.andi %ne3A_97, %ne3A_92 : i1
      %add3A_98 = arith.addi %rem3A, %select_n3A : i32
      %select_n3A_99 = arith.select %and3A, %add3A_98, %rem3A : i32
      %eq3A_100 = arith.cmpi eq, %arg0, %select_n3A_99 : i32
      %convert_element_type3A_101 = arith.extui %eq3A_100 : i1 to i32
      %cond3A_102 = arith.constant 0 : i32
      %cond3A_103 = arith.cmpi ne, %convert_element_type3A_101, %cond3A_102 : i32
      scf.if %cond3A_103 {
        %ge3A_156 = arith.constant 2 : i32
        %ge3A_157 = arith.cmpi sge, %add3A_64, %ge3A_156 : i32
        %convert_element_type3A_158 = arith.extui %ge3A_157 : i1 to i32
        %cond3A_159 = arith.constant 0 : i32
        %cond3A_160 = arith.cmpi ne, %convert_element_type3A_158, %cond3A_159 : i32
        scf.if %cond3A_160 {
          %sub3A_167 = arith.constant 2 : i32
          %sub3A_168 = arith.subi %add3A_64, %sub3A_167 : i32
          %dma_wait3A_169 = arith.constant 0 : i32
          %dma_wait3A_170 = tpu.memref_slice %arg11[%sub3A_168, %dma_wait3A_169] : memref<160x128xi32, #tpu.memory_space<vmem>> -> memref<1x128xi32, #tpu.memory_space<vmem>>
          %dma_wait3A_171 = tpu.memref_squeeze %dma_wait3A_170 : memref<1x128xi32, #tpu.memory_space<vmem>> -> memref<128xi32, #tpu.memory_space<vmem>>
          %dma_wait3A_172 = arith.constant 0 : i32
          %dma_wait3A_173 = arith.constant 0 : i32
          %dma_wait3A_174 = tpu.memref_slice %arg18[%dma_wait3A_172, %dma_wait3A_173] : memref<10240x16xf32, #tpu.memory_space<vmem_shared>> -> memref<10240x16xf32, #tpu.memory_space<vmem_shared>>
          tpu.wait_indirect_dma semaphore(%arg23 : memref<!tpu.dma_semaphore, #tpu.memory_space<semaphore_mem>>) src(%arg14 : memref<128x16xf32, #tpu.memory_space<vmem>>) dst(%dma_wait3A_174 : memref<10240x16xf32, #tpu.memory_space<vmem_shared>>)
        } else {
        }
        %dma_start3A_161 = arith.constant 0 : i32
        %dma_start3A_162 = tpu.memref_slice %arg11[%add3A_64, %dma_start3A_161] : memref<160x128xi32, #tpu.memory_space<vmem>> -> memref<1x128xi32, #tpu.memory_space<vmem>>
        %dma_start3A_163 = tpu.memref_squeeze %dma_start3A_162 : memref<1x128xi32, #tpu.memory_space<vmem>> -> memref<128xi32, #tpu.memory_space<vmem>>
        %dma_start3A_164 = arith.constant 0 : i32
        %dma_start3A_165 = arith.constant 0 : i32
        %dma_start3A_166 = tpu.memref_slice %arg18[%dma_start3A_164, %dma_start3A_165] : memref<10240x16xf32, #tpu.memory_space<vmem_shared>> -> memref<10240x16xf32, #tpu.memory_space<vmem_shared>>
        tpu.enqueue_indirect_dma source(%arg14 : memref<128x16xf32, #tpu.memory_space<vmem>>) target(%dma_start3A_166 : memref<10240x16xf32, #tpu.memory_space<vmem_shared>>) offsets(%dma_start3A_163 : memref<128xi32, #tpu.memory_space<vmem>>) semaphore(%arg23 : memref<!tpu.dma_semaphore, #tpu.memory_space<semaphore_mem>>) {add = true}
      } else {
      }
      %add3A_104 = arith.constant 1 : i32
      %add3A_105 = arith.addi %add3A_62, %add3A_104 : i32
      %ge3A_106 = arith.constant 1 : i32
      %ge3A_107 = arith.cmpi sge, %add3A_105, %ge3A_106 : i32
      %convert_element_type3A_108 = arith.extui %ge3A_107 : i1 to i32
      %cond3A_109 = arith.constant 0 : i32
      %cond3A_110 = arith.cmpi ne, %convert_element_type3A_108, %cond3A_109 : i32
      scf.if %cond3A_110 {
        %sub3A_156 = arith.constant 1 : i32
        %sub3A_157 = arith.subi %add3A_105, %sub3A_156 : i32
        %dma_wait3A_158 = arith.constant 0 : i32
        %dma_wait3A_159 = tpu.memref_slice %arg11[%sub3A_157, %dma_wait3A_158] : memref<160x128xi32, #tpu.memory_space<vmem>> -> memref<1x128xi32, #tpu.memory_space<vmem>>
        %dma_wait3A_160 = tpu.memref_squeeze %dma_wait3A_159 : memref<1x128xi32, #tpu.memory_space<vmem>> -> memref<128xi32, #tpu.memory_space<vmem>>
        %dma_wait3A_161 = arith.constant 0 : i32
        %dma_wait3A_162 = arith.constant 0 : i32
        %dma_wait3A_163 = tpu.memref_slice %arg17[%dma_wait3A_161, %dma_wait3A_162] : memref<10240x64xf32, #tpu.memory_space<vmem_shared>> -> memref<10240x64xf32, #tpu.memory_space<vmem_shared>>
        tpu.wait_indirect_dma semaphore(%arg21 : memref<!tpu.dma_semaphore, #tpu.memory_space<semaphore_mem>>) src(%arg12 : memref<128x64xf32, #tpu.memory_space<vmem>>) dst(%dma_wait3A_163 : memref<10240x64xf32, #tpu.memory_space<vmem_shared>>)
      } else {
      }
      %add3A_111 = arith.constant 2 : i32
      %add3A_112 = arith.addi %add3A_105, %add3A_111 : i32
      %sub3A_113 = arith.constant 1 : i32
      %sub3A_114 = arith.subi %add3A_112, %sub3A_113 : i32
      %lt3A_115 = arith.constant 160 : i32
      %lt3A_116 = arith.cmpi slt, %sub3A_114, %lt3A_115 : i32
      %convert_element_type3A_117 = arith.extui %lt3A_116 : i1 to i32
      %cond3A_118 = arith.constant 0 : i32
      %cond3A_119 = arith.cmpi ne, %convert_element_type3A_117, %cond3A_118 : i32
      scf.if %cond3A_119 {
        %add3A_156 = arith.constant 2 : i32
        %add3A_157 = arith.addi %add3A_105, %add3A_156 : i32
        %sub3A_158 = arith.constant 1 : i32
        %sub3A_159 = arith.subi %add3A_157, %sub3A_158 : i32
        %dma_start3A_160 = arith.constant 0 : i32
        %dma_start3A_161 = tpu.memref_slice %arg10[%sub3A_159, %dma_start3A_160] : memref<160x128xi32, #tpu.memory_space<vmem>> -> memref<1x128xi32, #tpu.memory_space<vmem>>
        %dma_start3A_162 = tpu.memref_squeeze %dma_start3A_161 : memref<1x128xi32, #tpu.memory_space<vmem>> -> memref<128xi32, #tpu.memory_space<vmem>>
        %dma_start3A_163 = arith.constant 0 : i32
        %dma_start3A_164 = arith.constant 0 : i32
        %dma_start3A_165 = tpu.memref_slice %arg2[%arg0, %dma_start3A_163, %dma_start3A_164] : memref<2x10000x64xf32, #tpu.memory_space<hbm>> -> memref<1x10000x64xf32, #tpu.memory_space<hbm>>
        %dma_start3A_166 = tpu.memref_squeeze %dma_start3A_165 : memref<1x10000x64xf32, #tpu.memory_space<hbm>> -> memref<10000x64xf32, #tpu.memory_space<hbm>>
        %dma_start3A_167 = arith.constant 0 : i32
        %dma_start3A_168 = arith.constant 0 : i32
        %dma_start3A_169 = tpu.memref_slice %dma_start3A_166[%dma_start3A_167, %dma_start3A_168] : memref<10000x64xf32, #tpu.memory_space<hbm>> -> memref<10000x64xf32, #tpu.memory_space<hbm>>
        tpu.enqueue_indirect_dma source(%dma_start3A_169 : memref<10000x64xf32, #tpu.memory_space<hbm>>) target(%arg12 : memref<128x64xf32, #tpu.memory_space<vmem>>) offsets(%dma_start3A_162 : memref<128xi32, #tpu.memory_space<vmem>>) semaphore(%arg19 : memref<!tpu.dma_semaphore, #tpu.memory_space<semaphore_mem>>)
      } else {
      }
      %dma_wait3A_120 = arith.constant 0 : i32
      %dma_wait3A_121 = tpu.memref_slice %arg10[%add3A_105, %dma_wait3A_120] : memref<160x128xi32, #tpu.memory_space<vmem>> -> memref<1x128xi32, #tpu.memory_space<vmem>>
      %dma_wait3A_122 = tpu.memref_squeeze %dma_wait3A_121 : memref<1x128xi32, #tpu.memory_space<vmem>> -> memref<128xi32, #tpu.memory_space<vmem>>
      %dma_wait3A_123 = arith.constant 0 : i32
      %dma_wait3A_124 = arith.constant 0 : i32
      %dma_wait3A_125 = tpu.memref_slice %arg2[%arg0, %dma_wait3A_123, %dma_wait3A_124] : memref<2x10000x64xf32, #tpu.memory_space<hbm>> -> memref<1x10000x64xf32, #tpu.memory_space<hbm>>
      %dma_wait3A_126 = tpu.memref_squeeze %dma_wait3A_125 : memref<1x10000x64xf32, #tpu.memory_space<hbm>> -> memref<10000x64xf32, #tpu.memory_space<hbm>>
      %dma_wait3A_127 = arith.constant 0 : i32
      %dma_wait3A_128 = arith.constant 0 : i32
      %dma_wait3A_129 = tpu.memref_slice %dma_wait3A_126[%dma_wait3A_127, %dma_wait3A_128] : memref<10000x64xf32, #tpu.memory_space<hbm>> -> memref<10000x64xf32, #tpu.memory_space<hbm>>
      tpu.wait_indirect_dma semaphore(%arg20 : memref<!tpu.dma_semaphore, #tpu.memory_space<semaphore_mem>>) src(%dma_wait3A_129 : memref<10000x64xf32, #tpu.memory_space<hbm>>) dst(%arg13 : memref<128x64xf32, #tpu.memory_space<vmem>>)
      %dma_start3A_130 = arith.constant 0 : i32
      %dma_start3A_131 = tpu.memref_slice %arg11[%add3A_105, %dma_start3A_130] : memref<160x128xi32, #tpu.memory_space<vmem>> -> memref<1x128xi32, #tpu.memory_space<vmem>>
      %dma_start3A_132 = tpu.memref_squeeze %dma_start3A_131 : memref<1x128xi32, #tpu.memory_space<vmem>> -> memref<128xi32, #tpu.memory_space<vmem>>
      %dma_start3A_133 = arith.constant 0 : i32
      %dma_start3A_134 = arith.constant 0 : i32
      %dma_start3A_135 = tpu.memref_slice %arg17[%dma_start3A_133, %dma_start3A_134] : memref<10240x64xf32, #tpu.memory_space<vmem_shared>> -> memref<10240x64xf32, #tpu.memory_space<vmem_shared>>
      tpu.enqueue_indirect_dma source(%arg13 : memref<128x64xf32, #tpu.memory_space<vmem>>) target(%dma_start3A_135 : memref<10240x64xf32, #tpu.memory_space<vmem_shared>>) offsets(%dma_start3A_132 : memref<128xi32, #tpu.memory_space<vmem>>) semaphore(%arg22 : memref<!tpu.dma_semaphore, #tpu.memory_space<semaphore_mem>>) {add = true}
      %jit3A_136 = arith.constant 2 : i32
      %eq3A_137 = arith.constant 0 : i32
      %eq3A_138 = arith.cmpi eq, %jit3A_136, %eq3A_137 : i32
      %jit3A_139 = arith.constant 1 : i32
      %select_n3A_140 = arith.select %eq3A_138, %jit3A_139, %jit3A_136 : i32
      %rem3A_141 = arith.remsi %add3A_105, %select_n3A_140 : i32
      %ne3A_142 = arith.constant 0 : i32
      %ne3A_143 = arith.cmpi ne, %rem3A_141, %ne3A_142 : i32
      %lt3A_144 = arith.constant 0 : i32
      %lt3A_145 = arith.cmpi slt, %rem3A_141, %lt3A_144 : i32
      %lt3A_146 = arith.constant 0 : i32
      %lt3A_147 = arith.cmpi slt, %select_n3A_140, %lt3A_146 : i32
      %ne3A_148 = arith.xori %lt3A_145, %lt3A_147 : i1
      %and3A_149 = arith.andi %ne3A_148, %ne3A_143 : i1
      %add3A_150 = arith.addi %rem3A_141, %select_n3A_140 : i32
      %select_n3A_151 = arith.select %and3A_149, %add3A_150, %rem3A_141 : i32
      %eq3A_152 = arith.cmpi eq, %arg0, %select_n3A_151 : i32
      %convert_element_type3A_153 = arith.extui %eq3A_152 : i1 to i32
      %cond3A_154 = arith.constant 0 : i32
      %cond3A_155 = arith.cmpi ne, %convert_element_type3A_153, %cond3A_154 : i32
      scf.if %cond3A_155 {
        %ge3A_156 = arith.constant 2 : i32
        %ge3A_157 = arith.cmpi sge, %add3A_105, %ge3A_156 : i32
        %convert_element_type3A_158 = arith.extui %ge3A_157 : i1 to i32
        %cond3A_159 = arith.constant 0 : i32
        %cond3A_160 = arith.cmpi ne, %convert_element_type3A_158, %cond3A_159 : i32
        scf.if %cond3A_160 {
          %sub3A_167 = arith.constant 2 : i32
          %sub3A_168 = arith.subi %add3A_105, %sub3A_167 : i32
          %dma_wait3A_169 = arith.constant 0 : i32
          %dma_wait3A_170 = tpu.memref_slice %arg11[%sub3A_168, %dma_wait3A_169] : memref<160x128xi32, #tpu.memory_space<vmem>> -> memref<1x128xi32, #tpu.memory_space<vmem>>
          %dma_wait3A_171 = tpu.memref_squeeze %dma_wait3A_170 : memref<1x128xi32, #tpu.memory_space<vmem>> -> memref<128xi32, #tpu.memory_space<vmem>>
          %dma_wait3A_172 = arith.constant 0 : i32
          %dma_wait3A_173 = arith.constant 0 : i32
          %dma_wait3A_174 = tpu.memref_slice %arg18[%dma_wait3A_172, %dma_wait3A_173] : memref<10240x16xf32, #tpu.memory_space<vmem_shared>> -> memref<10240x16xf32, #tpu.memory_space<vmem_shared>>
          tpu.wait_indirect_dma semaphore(%arg23 : memref<!tpu.dma_semaphore, #tpu.memory_space<semaphore_mem>>) src(%arg14 : memref<128x16xf32, #tpu.memory_space<vmem>>) dst(%dma_wait3A_174 : memref<10240x16xf32, #tpu.memory_space<vmem_shared>>)
        } else {
        }
        %dma_start3A_161 = arith.constant 0 : i32
        %dma_start3A_162 = tpu.memref_slice %arg11[%add3A_105, %dma_start3A_161] : memref<160x128xi32, #tpu.memory_space<vmem>> -> memref<1x128xi32, #tpu.memory_space<vmem>>
        %dma_start3A_163 = tpu.memref_squeeze %dma_start3A_162 : memref<1x128xi32, #tpu.memory_space<vmem>> -> memref<128xi32, #tpu.memory_space<vmem>>
        %dma_start3A_164 = arith.constant 0 : i32
        %dma_start3A_165 = arith.constant 0 : i32
        %dma_start3A_166 = tpu.memref_slice %arg18[%dma_start3A_164, %dma_start3A_165] : memref<10240x16xf32, #tpu.memory_space<vmem_shared>> -> memref<10240x16xf32, #tpu.memory_space<vmem_shared>>
        tpu.enqueue_indirect_dma source(%arg14 : memref<128x16xf32, #tpu.memory_space<vmem>>) target(%dma_start3A_166 : memref<10240x16xf32, #tpu.memory_space<vmem_shared>>) offsets(%dma_start3A_163 : memref<128xi32, #tpu.memory_space<vmem>>) semaphore(%arg23 : memref<!tpu.dma_semaphore, #tpu.memory_space<semaphore_mem>>) {add = true}
      } else {
      }
    }
    %scan3A_23 = arith.constant 80 : i32
    %dma_wait3A = arith.constant 159 : i32
    %dma_wait3A_24 = arith.constant 0 : i32
    %dma_wait3A_25 = tpu.memref_slice %arg11[%dma_wait3A, %dma_wait3A_24] : memref<160x128xi32, #tpu.memory_space<vmem>> -> memref<1x128xi32, #tpu.memory_space<vmem>>
    %dma_wait3A_26 = tpu.memref_squeeze %dma_wait3A_25 : memref<1x128xi32, #tpu.memory_space<vmem>> -> memref<128xi32, #tpu.memory_space<vmem>>
    %dma_wait3A_27 = arith.constant 0 : i32
    %dma_wait3A_28 = arith.constant 0 : i32
    %dma_wait3A_29 = tpu.memref_slice %arg17[%dma_wait3A_27, %dma_wait3A_28] : memref<10240x64xf32, #tpu.memory_space<vmem_shared>> -> memref<10240x64xf32, #tpu.memory_space<vmem_shared>>
    tpu.wait_indirect_dma semaphore(%arg22 : memref<!tpu.dma_semaphore, #tpu.memory_space<semaphore_mem>>) src(%arg13 : memref<128x64xf32, #tpu.memory_space<vmem>>) dst(%dma_wait3A_29 : memref<10240x64xf32, #tpu.memory_space<vmem_shared>>)
    %dma_wait3A_30 = arith.constant 0 : i32
    %dma_wait3A_31 = arith.constant 0 : i32
    %dma_wait3A_32 = tpu.memref_slice %arg11[%dma_wait3A_30, %dma_wait3A_31] : memref<160x128xi32, #tpu.memory_space<vmem>> -> memref<1x128xi32, #tpu.memory_space<vmem>>
    %dma_wait3A_33 = tpu.memref_squeeze %dma_wait3A_32 : memref<1x128xi32, #tpu.memory_space<vmem>> -> memref<128xi32, #tpu.memory_space<vmem>>
    %dma_wait3A_34 = arith.constant 0 : i32
    %dma_wait3A_35 = arith.constant 0 : i32
    %dma_wait3A_36 = tpu.memref_slice %arg18[%dma_wait3A_34, %dma_wait3A_35] : memref<10240x16xf32, #tpu.memory_space<vmem_shared>> -> memref<10240x16xf32, #tpu.memory_space<vmem_shared>>
    tpu.wait_indirect_dma semaphore(%arg23 : memref<!tpu.dma_semaphore, #tpu.memory_space<semaphore_mem>>) src(%arg14 : memref<128x16xf32, #tpu.memory_space<vmem>>) dst(%dma_wait3A_36 : memref<10240x16xf32, #tpu.memory_space<vmem_shared>>)
    %barrier3A_37 = arith.constant 0 : index
    tpu.barrier barrier_id(%barrier3A_37)
    %add3A_38 = arith.constant 0 : i32
    %add3A_39 = arith.addi %mul3A_0, %add3A_38 : i32
    "tpu.region"() ({
      %run_scoped3A = tpu.sem_alloc : memref<!tpu.dma_semaphore, #tpu.memory_space<semaphore_mem>>
      %dma_start3A_58 = arith.constant 0 : i32
      %dma_start3A_59 = tpu.memref_slice %arg17[%add3A_39, %dma_start3A_58] : memref<10240x64xf32, #tpu.memory_space<vmem_shared>> -> memref<128x64xf32, #tpu.memory_space<vmem_shared>>
      %dma_start3A_60 = arith.constant 0 : i32
      %dma_start3A_61 = tpu.memref_slice %arg17[%add3A_39, %dma_start3A_60] : memref<10240x64xf32, #tpu.memory_space<vmem_shared>> -> memref<128x64xf32, #tpu.memory_space<vmem_shared>>
      tpu.enqueue_dma source(%dma_start3A_61 : memref<128x64xf32, #tpu.memory_space<vmem_shared>>) target(%arg12 : memref<128x64xf32, #tpu.memory_space<vmem>>) target_semaphore(%run_scoped3A : memref<!tpu.dma_semaphore, #tpu.memory_space<semaphore_mem>>)
      %dma_wait3A_62 = arith.constant 0 : i32
      %dma_wait3A_63 = tpu.memref_slice %arg17[%add3A_39, %dma_wait3A_62] : memref<10240x64xf32, #tpu.memory_space<vmem_shared>> -> memref<128x64xf32, #tpu.memory_space<vmem_shared>>
      %dma_wait3A_64 = arith.constant 0 : i32
      %dma_wait3A_65 = tpu.memref_slice %arg17[%add3A_39, %dma_wait3A_64] : memref<10240x64xf32, #tpu.memory_space<vmem_shared>> -> memref<128x64xf32, #tpu.memory_space<vmem_shared>>
      tpu.wait_dma2 semaphore(%run_scoped3A : memref<!tpu.dma_semaphore, #tpu.memory_space<semaphore_mem>>) src(%dma_wait3A_65 : memref<128x64xf32, #tpu.memory_space<vmem_shared>>) dst(%arg12 : memref<128x64xf32, #tpu.memory_space<vmem>>)
      tpu.yield
    }) : () -> ()
    %add3A_40 = arith.constant 0 : i32
    %add3A_41 = arith.addi %mul3A_0, %add3A_40 : i32
    "tpu.region"() ({
      %run_scoped3A = tpu.sem_alloc : memref<!tpu.dma_semaphore, #tpu.memory_space<semaphore_mem>>
      %dma_start3A_58 = arith.constant 0 : i32
      %dma_start3A_59 = tpu.memref_slice %arg8[%arg0, %add3A_41, %dma_start3A_58] : memref<2x10240x64xf32, #tpu.memory_space<hbm>> -> memref<1x128x64xf32, #tpu.memory_space<hbm>>
      %dma_start3A_60 = tpu.memref_squeeze %dma_start3A_59 : memref<1x128x64xf32, #tpu.memory_space<hbm>> -> memref<128x64xf32, #tpu.memory_space<hbm>>
      %dma_start3A_61 = arith.constant 0 : i32
      %dma_start3A_62 = tpu.memref_slice %arg8[%arg0, %add3A_41, %dma_start3A_61] : memref<2x10240x64xf32, #tpu.memory_space<hbm>> -> memref<1x128x64xf32, #tpu.memory_space<hbm>>
      %dma_start3A_63 = tpu.memref_squeeze %dma_start3A_62 : memref<1x128x64xf32, #tpu.memory_space<hbm>> -> memref<128x64xf32, #tpu.memory_space<hbm>>
      tpu.enqueue_dma source(%arg12 : memref<128x64xf32, #tpu.memory_space<vmem>>) target(%dma_start3A_63 : memref<128x64xf32, #tpu.memory_space<hbm>>) target_semaphore(%run_scoped3A : memref<!tpu.dma_semaphore, #tpu.memory_space<semaphore_mem>>)
      %dma_wait3A_64 = arith.constant 0 : i32
      %dma_wait3A_65 = tpu.memref_slice %arg8[%arg0, %add3A_41, %dma_wait3A_64] : memref<2x10240x64xf32, #tpu.memory_space<hbm>> -> memref<1x128x64xf32, #tpu.memory_space<hbm>>
      %dma_wait3A_66 = tpu.memref_squeeze %dma_wait3A_65 : memref<1x128x64xf32, #tpu.memory_space<hbm>> -> memref<128x64xf32, #tpu.memory_space<hbm>>
      %dma_wait3A_67 = arith.constant 0 : i32
      %dma_wait3A_68 = tpu.memref_slice %arg8[%arg0, %add3A_41, %dma_wait3A_67] : memref<2x10240x64xf32, #tpu.memory_space<hbm>> -> memref<1x128x64xf32, #tpu.memory_space<hbm>>
      %dma_wait3A_69 = tpu.memref_squeeze %dma_wait3A_68 : memref<1x128x64xf32, #tpu.memory_space<hbm>> -> memref<128x64xf32, #tpu.memory_space<hbm>>
      tpu.wait_dma2 semaphore(%run_scoped3A : memref<!tpu.dma_semaphore, #tpu.memory_space<semaphore_mem>>) src(%arg12 : memref<128x64xf32, #tpu.memory_space<vmem>>) dst(%dma_wait3A_69 : memref<128x64xf32, #tpu.memory_space<hbm>>)
      tpu.yield
    }) : () -> ()
    %add3A_42 = arith.constant 128 : i32
    %add3A_43 = arith.addi %mul3A_0, %add3A_42 : i32
    "tpu.region"() ({
      %run_scoped3A = tpu.sem_alloc : memref<!tpu.dma_semaphore, #tpu.memory_space<semaphore_mem>>
      %dma_start3A_58 = arith.constant 0 : i32
      %dma_start3A_59 = tpu.memref_slice %arg17[%add3A_43, %dma_start3A_58] : memref<10240x64xf32, #tpu.memory_space<vmem_shared>> -> memref<128x64xf32, #tpu.memory_space<vmem_shared>>
      %dma_start3A_60 = arith.constant 0 : i32
      %dma_start3A_61 = tpu.memref_slice %arg17[%add3A_43, %dma_start3A_60] : memref<10240x64xf32, #tpu.memory_space<vmem_shared>> -> memref<128x64xf32, #tpu.memory_space<vmem_shared>>
      tpu.enqueue_dma source(%dma_start3A_61 : memref<128x64xf32, #tpu.memory_space<vmem_shared>>) target(%arg12 : memref<128x64xf32, #tpu.memory_space<vmem>>) target_semaphore(%run_scoped3A : memref<!tpu.dma_semaphore, #tpu.memory_space<semaphore_mem>>)
      %dma_wait3A_62 = arith.constant 0 : i32
      %dma_wait3A_63 = tpu.memref_slice %arg17[%add3A_43, %dma_wait3A_62] : memref<10240x64xf32, #tpu.memory_space<vmem_shared>> -> memref<128x64xf32, #tpu.memory_space<vmem_shared>>
      %dma_wait3A_64 = arith.constant 0 : i32
      %dma_wait3A_65 = tpu.memref_slice %arg17[%add3A_43, %dma_wait3A_64] : memref<10240x64xf32, #tpu.memory_space<vmem_shared>> -> memref<128x64xf32, #tpu.memory_space<vmem_shared>>
      tpu.wait_dma2 semaphore(%run_scoped3A : memref<!tpu.dma_semaphore, #tpu.memory_space<semaphore_mem>>) src(%dma_wait3A_65 : memref<128x64xf32, #tpu.memory_space<vmem_shared>>) dst(%arg12 : memref<128x64xf32, #tpu.memory_space<vmem>>)
      tpu.yield
    }) : () -> ()
    %add3A_44 = arith.constant 128 : i32
    %add3A_45 = arith.addi %mul3A_0, %add3A_44 : i32
    "tpu.region"() ({
      %run_scoped3A = tpu.sem_alloc : memref<!tpu.dma_semaphore, #tpu.memory_space<semaphore_mem>>
      %dma_start3A_58 = arith.constant 0 : i32
      %dma_start3A_59 = tpu.memref_slice %arg8[%arg0, %add3A_45, %dma_start3A_58] : memref<2x10240x64xf32, #tpu.memory_space<hbm>> -> memref<1x128x64xf32, #tpu.memory_space<hbm>>
      %dma_start3A_60 = tpu.memref_squeeze %dma_start3A_59 : memref<1x128x64xf32, #tpu.memory_space<hbm>> -> memref<128x64xf32, #tpu.memory_space<hbm>>
      %dma_start3A_61 = arith.constant 0 : i32
      %dma_start3A_62 = tpu.memref_slice %arg8[%arg0, %add3A_45, %dma_start3A_61] : memref<2x10240x64xf32, #tpu.memory_space<hbm>> -> memref<1x128x64xf32, #tpu.memory_space<hbm>>
      %dma_start3A_63 = tpu.memref_squeeze %dma_start3A_62 : memref<1x128x64xf32, #tpu.memory_space<hbm>> -> memref<128x64xf32, #tpu.memory_space<hbm>>
      tpu.enqueue_dma source(%arg12 : memref<128x64xf32, #tpu.memory_space<vmem>>) target(%dma_start3A_63 : memref<128x64xf32, #tpu.memory_space<hbm>>) target_semaphore(%run_scoped3A : memref<!tpu.dma_semaphore, #tpu.memory_space<semaphore_mem>>)
      %dma_wait3A_64 = arith.constant 0 : i32
      %dma_wait3A_65 = tpu.memref_slice %arg8[%arg0, %add3A_45, %dma_wait3A_64] : memref<2x10240x64xf32, #tpu.memory_space<hbm>> -> memref<1x128x64xf32, #tpu.memory_space<hbm>>
      %dma_wait3A_66 = tpu.memref_squeeze %dma_wait3A_65 : memref<1x128x64xf32, #tpu.memory_space<hbm>> -> memref<128x64xf32, #tpu.memory_space<hbm>>
      %dma_wait3A_67 = arith.constant 0 : i32
      %dma_wait3A_68 = tpu.memref_slice %arg8[%arg0, %add3A_45, %dma_wait3A_67] : memref<2x10240x64xf32, #tpu.memory_space<hbm>> -> memref<1x128x64xf32, #tpu.memory_space<hbm>>
      %dma_wait3A_69 = tpu.memref_squeeze %dma_wait3A_68 : memref<1x128x64xf32, #tpu.memory_space<hbm>> -> memref<128x64xf32, #tpu.memory_space<hbm>>
      tpu.wait_dma2 semaphore(%run_scoped3A : memref<!tpu.dma_semaphore, #tpu.memory_space<semaphore_mem>>) src(%arg12 : memref<128x64xf32, #tpu.memory_space<vmem>>) dst(%dma_wait3A_69 : memref<128x64xf32, #tpu.memory_space<hbm>>)
      tpu.yield
    }) : () -> ()
    %add3A_46 = arith.constant 256 : i32
    %add3A_47 = arith.addi %mul3A_0, %add3A_46 : i32
    "tpu.region"() ({
      %run_scoped3A = tpu.sem_alloc : memref<!tpu.dma_semaphore, #tpu.memory_space<semaphore_mem>>
      %dma_start3A_58 = arith.constant 0 : i32
      %dma_start3A_59 = tpu.memref_slice %arg17[%add3A_47, %dma_start3A_58] : memref<10240x64xf32, #tpu.memory_space<vmem_shared>> -> memref<128x64xf32, #tpu.memory_space<vmem_shared>>
      %dma_start3A_60 = arith.constant 0 : i32
      %dma_start3A_61 = tpu.memref_slice %arg17[%add3A_47, %dma_start3A_60] : memref<10240x64xf32, #tpu.memory_space<vmem_shared>> -> memref<128x64xf32, #tpu.memory_space<vmem_shared>>
      tpu.enqueue_dma source(%dma_start3A_61 : memref<128x64xf32, #tpu.memory_space<vmem_shared>>) target(%arg12 : memref<128x64xf32, #tpu.memory_space<vmem>>) target_semaphore(%run_scoped3A : memref<!tpu.dma_semaphore, #tpu.memory_space<semaphore_mem>>)
      %dma_wait3A_62 = arith.constant 0 : i32
      %dma_wait3A_63 = tpu.memref_slice %arg17[%add3A_47, %dma_wait3A_62] : memref<10240x64xf32, #tpu.memory_space<vmem_shared>> -> memref<128x64xf32, #tpu.memory_space<vmem_shared>>
      %dma_wait3A_64 = arith.constant 0 : i32
      %dma_wait3A_65 = tpu.memref_slice %arg17[%add3A_47, %dma_wait3A_64] : memref<10240x64xf32, #tpu.memory_space<vmem_shared>> -> memref<128x64xf32, #tpu.memory_space<vmem_shared>>
      tpu.wait_dma2 semaphore(%run_scoped3A : memref<!tpu.dma_semaphore, #tpu.memory_space<semaphore_mem>>) src(%dma_wait3A_65 : memref<128x64xf32, #tpu.memory_space<vmem_shared>>) dst(%arg12 : memref<128x64xf32, #tpu.memory_space<vmem>>)
      tpu.yield
    }) : () -> ()
    %add3A_48 = arith.constant 256 : i32
    %add3A_49 = arith.addi %mul3A_0, %add3A_48 : i32
    "tpu.region"() ({
      %run_scoped3A = tpu.sem_alloc : memref<!tpu.dma_semaphore, #tpu.memory_space<semaphore_mem>>
      %dma_start3A_58 = arith.constant 0 : i32
      %dma_start3A_59 = tpu.memref_slice %arg8[%arg0, %add3A_49, %dma_start3A_58] : memref<2x10240x64xf32, #tpu.memory_space<hbm>> -> memref<1x128x64xf32, #tpu.memory_space<hbm>>
      %dma_start3A_60 = tpu.memref_squeeze %dma_start3A_59 : memref<1x128x64xf32, #tpu.memory_space<hbm>> -> memref<128x64xf32, #tpu.memory_space<hbm>>
      %dma_start3A_61 = arith.constant 0 : i32
      %dma_start3A_62 = tpu.memref_slice %arg8[%arg0, %add3A_49, %dma_start3A_61] : memref<2x10240x64xf32, #tpu.memory_space<hbm>> -> memref<1x128x64xf32, #tpu.memory_space<hbm>>
      %dma_start3A_63 = tpu.memref_squeeze %dma_start3A_62 : memref<1x128x64xf32, #tpu.memory_space<hbm>> -> memref<128x64xf32, #tpu.memory_space<hbm>>
      tpu.enqueue_dma source(%arg12 : memref<128x64xf32, #tpu.memory_space<vmem>>) target(%dma_start3A_63 : memref<128x64xf32, #tpu.memory_space<hbm>>) target_semaphore(%run_scoped3A : memref<!tpu.dma_semaphore, #tpu.memory_space<semaphore_mem>>)
      %dma_wait3A_64 = arith.constant 0 : i32
      %dma_wait3A_65 = tpu.memref_slice %arg8[%arg0, %add3A_49, %dma_wait3A_64] : memref<2x10240x64xf32, #tpu.memory_space<hbm>> -> memref<1x128x64xf32, #tpu.memory_space<hbm>>
      %dma_wait3A_66 = tpu.memref_squeeze %dma_wait3A_65 : memref<1x128x64xf32, #tpu.memory_space<hbm>> -> memref<128x64xf32, #tpu.memory_space<hbm>>
      %dma_wait3A_67 = arith.constant 0 : i32
      %dma_wait3A_68 = tpu.memref_slice %arg8[%arg0, %add3A_49, %dma_wait3A_67] : memref<2x10240x64xf32, #tpu.memory_space<hbm>> -> memref<1x128x64xf32, #tpu.memory_space<hbm>>
      %dma_wait3A_69 = tpu.memref_squeeze %dma_wait3A_68 : memref<1x128x64xf32, #tpu.memory_space<hbm>> -> memref<128x64xf32, #tpu.memory_space<hbm>>
      tpu.wait_dma2 semaphore(%run_scoped3A : memref<!tpu.dma_semaphore, #tpu.memory_space<semaphore_mem>>) src(%arg12 : memref<128x64xf32, #tpu.memory_space<vmem>>) dst(%dma_wait3A_69 : memref<128x64xf32, #tpu.memory_space<hbm>>)
      tpu.yield
    }) : () -> ()
    %add3A_50 = arith.constant 384 : i32
    %add3A_51 = arith.addi %mul3A_0, %add3A_50 : i32
    "tpu.region"() ({
      %run_scoped3A = tpu.sem_alloc : memref<!tpu.dma_semaphore, #tpu.memory_space<semaphore_mem>>
      %dma_start3A_58 = arith.constant 0 : i32
      %dma_start3A_59 = tpu.memref_slice %arg17[%add3A_51, %dma_start3A_58] : memref<10240x64xf32, #tpu.memory_space<vmem_shared>> -> memref<128x64xf32, #tpu.memory_space<vmem_shared>>
      %dma_start3A_60 = arith.constant 0 : i32
      %dma_start3A_61 = tpu.memref_slice %arg17[%add3A_51, %dma_start3A_60] : memref<10240x64xf32, #tpu.memory_space<vmem_shared>> -> memref<128x64xf32, #tpu.memory_space<vmem_shared>>
      tpu.enqueue_dma source(%dma_start3A_61 : memref<128x64xf32, #tpu.memory_space<vmem_shared>>) target(%arg12 : memref<128x64xf32, #tpu.memory_space<vmem>>) target_semaphore(%run_scoped3A : memref<!tpu.dma_semaphore, #tpu.memory_space<semaphore_mem>>)
      %dma_wait3A_62 = arith.constant 0 : i32
      %dma_wait3A_63 = tpu.memref_slice %arg17[%add3A_51, %dma_wait3A_62] : memref<10240x64xf32, #tpu.memory_space<vmem_shared>> -> memref<128x64xf32, #tpu.memory_space<vmem_shared>>
      %dma_wait3A_64 = arith.constant 0 : i32
      %dma_wait3A_65 = tpu.memref_slice %arg17[%add3A_51, %dma_wait3A_64] : memref<10240x64xf32, #tpu.memory_space<vmem_shared>> -> memref<128x64xf32, #tpu.memory_space<vmem_shared>>
      tpu.wait_dma2 semaphore(%run_scoped3A : memref<!tpu.dma_semaphore, #tpu.memory_space<semaphore_mem>>) src(%dma_wait3A_65 : memref<128x64xf32, #tpu.memory_space<vmem_shared>>) dst(%arg12 : memref<128x64xf32, #tpu.memory_space<vmem>>)
      tpu.yield
    }) : () -> ()
    %add3A_52 = arith.constant 384 : i32
    %add3A_53 = arith.addi %mul3A_0, %add3A_52 : i32
    "tpu.region"() ({
      %run_scoped3A = tpu.sem_alloc : memref<!tpu.dma_semaphore, #tpu.memory_space<semaphore_mem>>
      %dma_start3A_58 = arith.constant 0 : i32
      %dma_start3A_59 = tpu.memref_slice %arg8[%arg0, %add3A_53, %dma_start3A_58] : memref<2x10240x64xf32, #tpu.memory_space<hbm>> -> memref<1x128x64xf32, #tpu.memory_space<hbm>>
      %dma_start3A_60 = tpu.memref_squeeze %dma_start3A_59 : memref<1x128x64xf32, #tpu.memory_space<hbm>> -> memref<128x64xf32, #tpu.memory_space<hbm>>
      %dma_start3A_61 = arith.constant 0 : i32
      %dma_start3A_62 = tpu.memref_slice %arg8[%arg0, %add3A_53, %dma_start3A_61] : memref<2x10240x64xf32, #tpu.memory_space<hbm>> -> memref<1x128x64xf32, #tpu.memory_space<hbm>>
      %dma_start3A_63 = tpu.memref_squeeze %dma_start3A_62 : memref<1x128x64xf32, #tpu.memory_space<hbm>> -> memref<128x64xf32, #tpu.memory_space<hbm>>
      tpu.enqueue_dma source(%arg12 : memref<128x64xf32, #tpu.memory_space<vmem>>) target(%dma_start3A_63 : memref<128x64xf32, #tpu.memory_space<hbm>>) target_semaphore(%run_scoped3A : memref<!tpu.dma_semaphore, #tpu.memory_space<semaphore_mem>>)
      %dma_wait3A_64 = arith.constant 0 : i32
      %dma_wait3A_65 = tpu.memref_slice %arg8[%arg0, %add3A_53, %dma_wait3A_64] : memref<2x10240x64xf32, #tpu.memory_space<hbm>> -> memref<1x128x64xf32, #tpu.memory_space<hbm>>
      %dma_wait3A_66 = tpu.memref_squeeze %dma_wait3A_65 : memref<1x128x64xf32, #tpu.memory_space<hbm>> -> memref<128x64xf32, #tpu.memory_space<hbm>>
      %dma_wait3A_67 = arith.constant 0 : i32
      %dma_wait3A_68 = tpu.memref_slice %arg8[%arg0, %add3A_53, %dma_wait3A_67] : memref<2x10240x64xf32, #tpu.memory_space<hbm>> -> memref<1x128x64xf32, #tpu.memory_space<hbm>>
      %dma_wait3A_69 = tpu.memref_squeeze %dma_wait3A_68 : memref<1x128x64xf32, #tpu.memory_space<hbm>> -> memref<128x64xf32, #tpu.memory_space<hbm>>
      tpu.wait_dma2 semaphore(%run_scoped3A : memref<!tpu.dma_semaphore, #tpu.memory_space<semaphore_mem>>) src(%arg12 : memref<128x64xf32, #tpu.memory_space<vmem>>) dst(%dma_wait3A_69 : memref<128x64xf32, #tpu.memory_space<hbm>>)
      tpu.yield
    }) : () -> ()
    %add3A_54 = arith.constant 512 : i32
    %add3A_55 = arith.addi %mul3A_0, %add3A_54 : i32
    "tpu.region"() ({
      %run_scoped3A = tpu.sem_alloc : memref<!tpu.dma_semaphore, #tpu.memory_space<semaphore_mem>>
      %dma_start3A_58 = arith.constant 0 : i32
      %dma_start3A_59 = tpu.memref_slice %arg17[%add3A_55, %dma_start3A_58] : memref<10240x64xf32, #tpu.memory_space<vmem_shared>> -> memref<128x64xf32, #tpu.memory_space<vmem_shared>>
      %dma_start3A_60 = arith.constant 0 : i32
      %dma_start3A_61 = tpu.memref_slice %arg17[%add3A_55, %dma_start3A_60] : memref<10240x64xf32, #tpu.memory_space<vmem_shared>> -> memref<128x64xf32, #tpu.memory_space<vmem_shared>>
      tpu.enqueue_dma source(%dma_start3A_61 : memref<128x64xf32, #tpu.memory_space<vmem_shared>>) target(%arg12 : memref<128x64xf32, #tpu.memory_space<vmem>>) target_semaphore(%run_scoped3A : memref<!tpu.dma_semaphore, #tpu.memory_space<semaphore_mem>>)
      %dma_wait3A_62 = arith.constant 0 : i32
      %dma_wait3A_63 = tpu.memref_slice %arg17[%add3A_55, %dma_wait3A_62] : memref<10240x64xf32, #tpu.memory_space<vmem_shared>> -> memref<128x64xf32, #tpu.memory_space<vmem_shared>>
      %dma_wait3A_64 = arith.constant 0 : i32
      %dma_wait3A_65 = tpu.memref_slice %arg17[%add3A_55, %dma_wait3A_64] : memref<10240x64xf32, #tpu.memory_space<vmem_shared>> -> memref<128x64xf32, #tpu.memory_space<vmem_shared>>
      tpu.wait_dma2 semaphore(%run_scoped3A : memref<!tpu.dma_semaphore, #tpu.memory_space<semaphore_mem>>) src(%dma_wait3A_65 : memref<128x64xf32, #tpu.memory_space<vmem_shared>>) dst(%arg12 : memref<128x64xf32, #tpu.memory_space<vmem>>)
      tpu.yield
    }) : () -> ()
    %add3A_56 = arith.constant 512 : i32
    %add3A_57 = arith.addi %mul3A_0, %add3A_56 : i32
    "tpu.region"() ({
      %run_scoped3A = tpu.sem_alloc : memref<!tpu.dma_semaphore, #tpu.memory_space<semaphore_mem>>
      %dma_start3A_58 = arith.constant 0 : i32
      %dma_start3A_59 = tpu.memref_slice %arg8[%arg0, %add3A_57, %dma_start3A_58] : memref<2x10240x64xf32, #tpu.memory_space<hbm>> -> memref<1x128x64xf32, #tpu.memory_space<hbm>>
      %dma_start3A_60 = tpu.memref_squeeze %dma_start3A_59 : memref<1x128x64xf32, #tpu.memory_space<hbm>> -> memref<128x64xf32, #tpu.memory_space<hbm>>
      %dma_start3A_61 = arith.constant 0 : i32
      %dma_start3A_62 = tpu.memref_slice %arg8[%arg0, %add3A_57, %dma_start3A_61] : memref<2x10240x64xf32, #tpu.memory_space<hbm>> -> memref<1x128x64xf32, #tpu.memory_space<hbm>>
      %dma_start3A_63 = tpu.memref_squeeze %dma_start3A_62 : memref<1x128x64xf32, #tpu.memory_space<hbm>> -> memref<128x64xf32, #tpu.memory_space<hbm>>
      tpu.enqueue_dma source(%arg12 : memref<128x64xf32, #tpu.memory_space<vmem>>) target(%dma_start3A_63 : memref<128x64xf32, #tpu.memory_space<hbm>>) target_semaphore(%run_scoped3A : memref<!tpu.dma_semaphore, #tpu.memory_space<semaphore_mem>>)
      %dma_wait3A_64 = arith.constant 0 : i32
      %dma_wait3A_65 = tpu.memref_slice %arg8[%arg0, %add3A_57, %dma_wait3A_64] : memref<2x10240x64xf32, #tpu.memory_space<hbm>> -> memref<1x128x64xf32, #tpu.memory_space<hbm>>
      %dma_wait3A_66 = tpu.memref_squeeze %dma_wait3A_65 : memref<1x128x64xf32, #tpu.memory_space<hbm>> -> memref<128x64xf32, #tpu.memory_space<hbm>>
      %dma_wait3A_67 = arith.constant 0 : i32
      %dma_wait3A_68 = tpu.memref_slice %arg8[%arg0, %add3A_57, %dma_wait3A_67] : memref<2x10240x64xf32, #tpu.memory_space<hbm>> -> memref<1x128x64xf32, #tpu.memory_space<hbm>>
      %dma_wait3A_69 = tpu.memref_squeeze %dma_wait3A_68 : memref<1x128x64xf32, #tpu.memory_space<hbm>> -> memref<128x64xf32, #tpu.memory_space<hbm>>
      tpu.wait_dma2 semaphore(%run_scoped3A : memref<!tpu.dma_semaphore, #tpu.memory_space<semaphore_mem>>) src(%arg12 : memref<128x64xf32, #tpu.memory_space<vmem>>) dst(%dma_wait3A_69 : memref<128x64xf32, #tpu.memory_space<hbm>>)
      tpu.yield
    }) : () -> ()
    "tpu.region"() ({
      %run_scoped3A = tpu.sem_alloc : memref<!tpu.dma_semaphore, #tpu.memory_space<semaphore_mem>>
      %dma_start3A_58 = arith.constant 0 : i32
      %dma_start3A_59 = tpu.memref_slice %arg18[%mul3A_0, %dma_start3A_58] : memref<10240x16xf32, #tpu.memory_space<vmem_shared>> -> memref<640x16xf32, #tpu.memory_space<vmem_shared>>
      %dma_start3A_60 = arith.constant 0 : i32
      %dma_start3A_61 = tpu.memref_slice %arg18[%mul3A_0, %dma_start3A_60] : memref<10240x16xf32, #tpu.memory_space<vmem_shared>> -> memref<640x16xf32, #tpu.memory_space<vmem_shared>>
      tpu.enqueue_dma source(%dma_start3A_61 : memref<640x16xf32, #tpu.memory_space<vmem_shared>>) target(%arg16 : memref<640x16xf32, #tpu.memory_space<vmem>>) target_semaphore(%run_scoped3A : memref<!tpu.dma_semaphore, #tpu.memory_space<semaphore_mem>>)
      %dma_wait3A_62 = arith.constant 0 : i32
      %dma_wait3A_63 = tpu.memref_slice %arg18[%mul3A_0, %dma_wait3A_62] : memref<10240x16xf32, #tpu.memory_space<vmem_shared>> -> memref<640x16xf32, #tpu.memory_space<vmem_shared>>
      %dma_wait3A_64 = arith.constant 0 : i32
      %dma_wait3A_65 = tpu.memref_slice %arg18[%mul3A_0, %dma_wait3A_64] : memref<10240x16xf32, #tpu.memory_space<vmem_shared>> -> memref<640x16xf32, #tpu.memory_space<vmem_shared>>
      tpu.wait_dma2 semaphore(%run_scoped3A : memref<!tpu.dma_semaphore, #tpu.memory_space<semaphore_mem>>) src(%dma_wait3A_65 : memref<640x16xf32, #tpu.memory_space<vmem_shared>>) dst(%arg16 : memref<640x16xf32, #tpu.memory_space<vmem>>)
      tpu.yield
    }) : () -> ()
    "tpu.region"() ({
      %run_scoped3A = tpu.sem_alloc : memref<!tpu.dma_semaphore, #tpu.memory_space<semaphore_mem>>
      %dma_start3A_58 = arith.constant 0 : i32
      %dma_start3A_59 = tpu.memref_slice %arg9[%arg0, %mul3A_0, %dma_start3A_58] : memref<2x10240x16xf32, #tpu.memory_space<hbm>> -> memref<1x640x16xf32, #tpu.memory_space<hbm>>
      %dma_start3A_60 = tpu.memref_squeeze %dma_start3A_59 : memref<1x640x16xf32, #tpu.memory_space<hbm>> -> memref<640x16xf32, #tpu.memory_space<hbm>>
      %dma_start3A_61 = arith.constant 0 : i32
      %dma_start3A_62 = tpu.memref_slice %arg9[%arg0, %mul3A_0, %dma_start3A_61] : memref<2x10240x16xf32, #tpu.memory_space<hbm>> -> memref<1x640x16xf32, #tpu.memory_space<hbm>>
      %dma_start3A_63 = tpu.memref_squeeze %dma_start3A_62 : memref<1x640x16xf32, #tpu.memory_space<hbm>> -> memref<640x16xf32, #tpu.memory_space<hbm>>
      tpu.enqueue_dma source(%arg16 : memref<640x16xf32, #tpu.memory_space<vmem>>) target(%dma_start3A_63 : memref<640x16xf32, #tpu.memory_space<hbm>>) target_semaphore(%run_scoped3A : memref<!tpu.dma_semaphore, #tpu.memory_space<semaphore_mem>>)
      %dma_wait3A_64 = arith.constant 0 : i32
      %dma_wait3A_65 = tpu.memref_slice %arg9[%arg0, %mul3A_0, %dma_wait3A_64] : memref<2x10240x16xf32, #tpu.memory_space<hbm>> -> memref<1x640x16xf32, #tpu.memory_space<hbm>>
      %dma_wait3A_66 = tpu.memref_squeeze %dma_wait3A_65 : memref<1x640x16xf32, #tpu.memory_space<hbm>> -> memref<640x16xf32, #tpu.memory_space<hbm>>
      %dma_wait3A_67 = arith.constant 0 : i32
      %dma_wait3A_68 = tpu.memref_slice %arg9[%arg0, %mul3A_0, %dma_wait3A_67] : memref<2x10240x16xf32, #tpu.memory_space<hbm>> -> memref<1x640x16xf32, #tpu.memory_space<hbm>>
      %dma_wait3A_69 = tpu.memref_squeeze %dma_wait3A_68 : memref<1x640x16xf32, #tpu.memory_space<hbm>> -> memref<640x16xf32, #tpu.memory_space<hbm>>
      tpu.wait_dma2 semaphore(%run_scoped3A : memref<!tpu.dma_semaphore, #tpu.memory_space<semaphore_mem>>) src(%arg16 : memref<640x16xf32, #tpu.memory_space<vmem>>) dst(%dma_wait3A_69 : memref<640x16xf32, #tpu.memory_space<hbm>>)
      tpu.yield
    }) : () -> ()
    return
  }
}

module attributes {stable_mosaic.version = 14 : i64} {
  func.func @_tc_body(%arg0: i32, %arg1: memref<1x1000x64xf32, #tpu.memory_space<vmem>>, %arg2: memref<1x1000x64xf32, #tpu.memory_space<vmem>>, %arg3: memref<1x1000x16xf32, #tpu.memory_space<vmem>>, %arg4: memref<1x1000x16xf32, #tpu.memory_space<vmem>>, %arg5: memref<128x128xf32, #tpu.memory_space<vmem>>, %arg6: memref<1x128xf32, #tpu.memory_space<vmem>>, %arg7: memref<1000x128xf32, #tpu.memory_space<vmem>>) attributes {dimension_semantics = [#tpu.dimension_semantics<arbitrary>], iteration_bounds = array<i64: 10>, scalar_prefetch = 0 : i64, scratch_operands = 0 : i64, tpu.core_type = #tpu.core_type<tc>, window_params = [{transform_indices = @transform_0, window_bounds = array<i64: 1, 1000, 64>}, {transform_indices = @transform_1, window_bounds = array<i64: 1, 1000, 64>}, {transform_indices = @transform_2, window_bounds = array<i64: 1, 1000, 16>}, {transform_indices = @transform_3, window_bounds = array<i64: 1, 1000, 16>}, {pipeline_mode = #tpu.pipeline_mode<synchronous>, transform_indices = @transform_4, window_bounds = array<i64: 128, 128>}, {pipeline_mode = #tpu.pipeline_mode<synchronous>, transform_indices = @transform_5, window_bounds = array<i64: 1, 128>}, {transform_indices = @transform_6, window_bounds = array<i64: 1000, 128>}]} {
    %get3A = arith.constant 0 : index
    %get3A_0 = arith.constant 0 : index
    %get3A_1 = arith.constant 0 : index
    %get3A_2 = vector.load %arg3[%get3A, %get3A_0, %get3A_1] : memref<1x1000x16xf32, #tpu.memory_space<vmem>>, vector<1x1000x16xf32>
    %get3A_3 = vector.shape_cast %get3A_2 : vector<1x1000x16xf32> to vector<1000x16xf32>
    %slice3A = vector.extract_strided_slice %get3A_3 {offsets = [0, 0], sizes = [1000, 1], strides = [1, 1]} : vector<1000x16xf32> to vector<1000x1xf32>
    %get3A_4 = arith.constant 0 : index
    %get3A_5 = arith.constant 0 : index
    %get3A_6 = arith.constant 0 : index
    %get3A_7 = vector.load %arg4[%get3A_4, %get3A_5, %get3A_6] : memref<1x1000x16xf32, #tpu.memory_space<vmem>>, vector<1x1000x16xf32>
    %get3A_8 = vector.shape_cast %get3A_7 : vector<1x1000x16xf32> to vector<1000x16xf32>
    %slice3A_9 = vector.extract_strided_slice %get3A_8 {offsets = [0, 0], sizes = [1000, 1], strides = [1, 1]} : vector<1000x16xf32> to vector<1000x1xf32>
    %add3A = arith.addf %slice3A, %slice3A_9 : vector<1000x1xf32>
    %max3A = arith.constant 1.000000e+00 : f32
    %max3A_10 = vector.broadcast %max3A : f32 to vector<1000x1xf32>
    %max3A_11 = arith.maximumf %add3A, %max3A_10 : vector<1000x1xf32>
    %div3A = arith.constant 1.000000e+00 : f32
    %div3A_12 = vector.broadcast %div3A : f32 to vector<1000x1xf32>
    %div3A_13 = arith.divf %div3A_12, %max3A_11 : vector<1000x1xf32>
    %get3A_14 = arith.constant 0 : index
    %get3A_15 = arith.constant 0 : index
    %get3A_16 = arith.constant 0 : index
    %get3A_17 = vector.load %arg1[%get3A_14, %get3A_15, %get3A_16] : memref<1x1000x64xf32, #tpu.memory_space<vmem>>, vector<1x1000x64xf32>
    %get3A_18 = vector.shape_cast %get3A_17 : vector<1x1000x64xf32> to vector<1000x64xf32>
    %mul3A = vector.broadcast %div3A_13 : vector<1000x1xf32> to vector<1000x64xf32>
    %mul3A_19 = arith.mulf %get3A_18, %mul3A : vector<1000x64xf32>
    %get3A_20 = arith.constant 0 : index
    %get3A_21 = arith.constant 0 : index
    %get3A_22 = arith.constant 0 : index
    %get3A_23 = vector.load %arg2[%get3A_20, %get3A_21, %get3A_22] : memref<1x1000x64xf32, #tpu.memory_space<vmem>>, vector<1x1000x64xf32>
    %get3A_24 = vector.shape_cast %get3A_23 : vector<1x1000x64xf32> to vector<1000x64xf32>
    %mul3A_25 = vector.broadcast %div3A_13 : vector<1000x1xf32> to vector<1000x64xf32>
    %mul3A_26 = arith.mulf %get3A_24, %mul3A_25 : vector<1000x64xf32>
    %get3A_27 = arith.constant 0 : index
    %get3A_28 = arith.constant 0 : index
    %get3A_29 = vector.load %arg5[%get3A_27, %get3A_28] : memref<128x128xf32, #tpu.memory_space<vmem>>, vector<128x128xf32>
    %slice3A_30 = vector.extract_strided_slice %get3A_29 {offsets = [0, 0], sizes = [64, 128], strides = [1, 1]} : vector<128x128xf32> to vector<64x128xf32>
    %dot_general3A = arith.constant dense<0.000000e+00> : vector<1000x128xf32>
    %dot_general3A_31 = tpu.matmul %mul3A_19, %slice3A_30, %dot_general3A {dimension_numbers = #tpu.dot_dimension_numbers<[1], [0], [0], [1], [0, 0, 1, 1], [], []>, transpose_lhs_hint = false} : vector<1000x64xf32>, vector<64x128xf32>, vector<1000x128xf32> -> vector<1000x128xf32>
    %slice3A_32 = vector.extract_strided_slice %get3A_29 {offsets = [64, 0], sizes = [64, 128], strides = [1, 1]} : vector<128x128xf32> to vector<64x128xf32>
    %dot_general3A_33 = arith.constant dense<0.000000e+00> : vector<1000x128xf32>
    %dot_general3A_34 = tpu.matmul %mul3A_26, %slice3A_32, %dot_general3A_33 {dimension_numbers = #tpu.dot_dimension_numbers<[1], [0], [0], [1], [0, 0, 1, 1], [], []>, transpose_lhs_hint = false} : vector<1000x64xf32>, vector<64x128xf32>, vector<1000x128xf32> -> vector<1000x128xf32>
    %add3A_35 = arith.addf %dot_general3A_31, %dot_general3A_34 : vector<1000x128xf32>
    %get3A_36 = arith.constant 0 : index
    %get3A_37 = arith.constant 0 : index
    %get3A_38 = vector.load %arg6[%get3A_36, %get3A_37] : memref<1x128xf32, #tpu.memory_space<vmem>>, vector<1x128xf32>
    %add3A_39 = vector.broadcast %get3A_38 : vector<1x128xf32> to vector<1000x128xf32>
    %add3A_40 = arith.addf %add3A_35, %add3A_39 : vector<1000x128xf32>
    %swap3A = arith.constant 0 : index
    %swap3A_41 = arith.constant 0 : index
    %swap3A_42 = vector.load %arg7[%swap3A, %swap3A_41] : memref<1000x128xf32, #tpu.memory_space<vmem>>, vector<1000x128xf32>
    tpu.vector_store %arg7[%swap3A, %swap3A_41], %add3A_40 {strides = array<i32>} : memref<1000x128xf32, #tpu.memory_space<vmem>>, vector<1000x128xf32>,
    return
  }
  func.func @transform_0(%arg0: i32) -> (i32, i32, i32) {
    %c0_i32 = arith.constant 0 : i32
    %c0_i32_0 = arith.constant 0 : i32
    %c0_i32_1 = arith.constant 0 : i32
    return %c0_i32, %arg0, %c0_i32_0 : i32, i32, i32
  }
  func.func @transform_1(%arg0: i32) -> (i32, i32, i32) {
    %c1_i32 = arith.constant 1 : i32
    %c0_i32 = arith.constant 0 : i32
    %c0_i32_0 = arith.constant 0 : i32
    return %c1_i32, %arg0, %c0_i32 : i32, i32, i32
  }
  func.func @transform_2(%arg0: i32) -> (i32, i32, i32) {
    %c0_i32 = arith.constant 0 : i32
    %c0_i32_0 = arith.constant 0 : i32
    %c0_i32_1 = arith.constant 0 : i32
    return %c0_i32, %arg0, %c0_i32_0 : i32, i32, i32
  }
  func.func @transform_3(%arg0: i32) -> (i32, i32, i32) {
    %c1_i32 = arith.constant 1 : i32
    %c0_i32 = arith.constant 0 : i32
    %c0_i32_0 = arith.constant 0 : i32
    return %c1_i32, %arg0, %c0_i32 : i32, i32, i32
  }
  func.func @transform_4(%arg0: i32) -> (i32, i32) {
    %c0_i32 = arith.constant 0 : i32
    %c0_i32_0 = arith.constant 0 : i32
    %c0_i32_1 = arith.constant 0 : i32
    return %c0_i32, %c0_i32_0 : i32, i32
  }
  func.func @transform_5(%arg0: i32) -> (i32, i32) {
    %c0_i32 = arith.constant 0 : i32
    %c0_i32_0 = arith.constant 0 : i32
    %c0_i32_1 = arith.constant 0 : i32
    return %c0_i32, %c0_i32_0 : i32, i32
  }
  func.func @transform_6(%arg0: i32) -> (i32, i32) {
    %c0_i32 = arith.constant 0 : i32
    %c0_i32_0 = arith.constant 0 : i32
    return %arg0, %c0_i32 : i32, i32
  }
}

</mosaic_0001>

<sc_bundles>
// kernel: kernel.4.cloned.1.call-start
scs
__scs_entry_jumppad:
0x0: {  	(pc) =	sbr.rel $0x88, $3  }
0x1: {  	(tag) =	ssettag $0x0;
	lr =	simm.s32 $0x1  }
0x2: {  	[smem:$0x3F9D] =	sst lr;
	_ =	strace $0xD0000000  }
0x3: {  	_ = 	snop  }
0x4: {  	_ = 	snop  }
0x5: {  	_ = 	snop  }
0x6: {  	_ = 	snop  }
0x7: {  	_ = 	snop  }
__scs_overlays_trampoline_lowered:
0x8: {  	[smem:$0x3FAC] =	sst s0  }
0x9: {  	[smem:$0x3FAD] =	sst s1  }
0xa: {  	[smem:$0x3FAE] =	sst s2  }
0xb: {  	[smem:$0x3FAF] =	sst s3  }
0xc: {  	[smem:$0x3FB0] =	sst s4  }
0xd: {  	[smem:$0x3FB1] =	sst s5  }
0xe: {  	[smem:$0x3FB2] =	sst s6  }
0xf: {  	[smem:$0x3FB3] =	sst s7  }
0x10: {  	[smem:$0x3FB4] =	sst s8  }
0x11: {  	[smem:$0x3FB5] =	sst s9;
	s0 =	simm.s32 @!p0 $0x0  }
0x12: {  	s1 =	sld [smem:$0x3F9B];
	s0 =	simm.s32 @p0 $0x1  }
0x13: {  	[smem:$0x3FB6] =	sst s0;
	s0 =	simm.s32 @!p1 $0x0  }
0x14: {  	s2 =	sld [smem:$0x3F9A];
	s0 =	simm.s32 @p1 $0x1  }
0x15: {  	[smem:$0x3FB7] =	sst s0;
	s0 =	simm.s32 @!p2 $0x0  }
0x16: {  	s3 =	sld [smem:$0x3FDB];
	s0 =	simm.s32 @p2 $0x1  }
0x17: {  	s4 =	simm.s32 $0x1BF5;
	[smem:$0x3FB9] =	sst s0  }
0x18: {  	s0 =	sld [smem:$0x3F9C];
	_ =	swait.ge [sflag:s4], $0x0  }
0x19: {  	s7 =	sld [smem:$0x3F9D]  }
0x1a: {  	s8 =	sadd.s32 $0xFFFFE003, lr  }
0x1b: {  	s9 =	sadd.s32 $0xFFFFFEF7, lr;
	s5 =	simm.s32 $0xFFFFFFFF;
	p2 =	slt.u32 s8, $0xFFFFF086  }
0x1c: {  	p1 =	slt.u32 s9, $0xF7A;
	s5 =	simm.s32 @!p2 $0x0  }
0x1d: {  	s5 =	simm.s32 @p1 $0x1;
	p0 =	seq.s32 s7, s2  }
0x1e: {  	s7 =	smul.u32 @!p0 $0xF7A, s2;
	p2 =	seq.s32 @!p0 s5, $0x0  }
0x1f: {  	s9 =	smul.u32 $0xF7A, s1;
	s8 =	simm.s32 @!p0 $0x1BF5;
	p2 =	por !p2, p0  }
0x20: {  	[sflag:s8] =	ssyncset.s32 @!p0 $0xFFFFF086;
	s6 =	sadd.s32 @!p0 s3, s7;
	s7 =	simm.s32 @!p0 $0x108  }
0x21: {  	s3 =	sadd.s32 s3, s9;
	s6 =	sadd.s32 @!p0 $0x88, s6;
	s7 =	simm.s32 @p2 $0x1082  }
0x22: {  	[simem:s7], [sflag:s8] =	dma.local @!p0 [hbm:s6], $0xF7A  }
0x23: {  	s9 =	sor.u32 $0xD0000000, s2;
	s6 =	simm.s32 $0x108;
	_ =	swait.ge @!p0 [sflag:s8], $0x0  }
0x24: {  	s3 =	sadd.s32 $0x88, s3;
	s6 =	simm.s32 @!p1 $0x1082;
	[sflag:s4] =	ssyncset.s32 $0xFFFFF086  }
0x25: {  	[simem:s6], [sflag:s4] =	dma.local [hbm:s3], $0xF7A  }
0x26: {  	[smem:$0x3F9D] =	sst s1;
	(tag) =	ssettag s2;
	_ =	strace s9  }
0x27: {  	s1 =	sld [smem:$0x3FAD]  }
0x28: {  	s2 =	sld [smem:$0x3FAE]  }
0x29: {  	s4 =	sld [smem:$0x3FB0]  }
0x2a: {  	p0 =	seq.s32 s5, $0x0;
	s5 =	sld [smem:$0x3FB1]  }
0x2b: {  	s6 =	sld [smem:$0x3FB2]  }
0x2c: {  	s7 =	sld [smem:$0x3FB3]  }
0x2d: {  	s3 =	simm.s32 $0x108;
	s8 =	sld [smem:$0x3FB4]  }
0x2e: {  	s3 =	simm.s32 @!p0 $0x1082;
	s9 =	sld [smem:$0x3FB5]  }
0x2f: {  	lr =	sadd.s32 s0, s3;
	s0 =	sld [smem:$0x3FAC]  }
0x30: {  	s3 =	sld [smem:$0x3FAF]  }
0x31: {  	[smem:$0x3FB8] =	sst s10  }
0x32: {  	s10 =	sld [smem:$0x3FB6];
	_ =	sdelay $0x3  }
0x33: {  	p0 =	seq.s32 s10, $0x1;
	s10 =	sld [smem:$0x3FB8];
	_ =	sdelay $0x3  }
0x34: {  	[smem:$0x3FB8] =	sst s10  }
0x35: {  	s10 =	sld [smem:$0x3FB7];
	_ =	sdelay $0x3  }
0x36: {  	p1 =	seq.s32 s10, $0x1;
	s10 =	sld [smem:$0x3FB8];
	_ =	sdelay $0x3  }
0x37: {  	[smem:$0x3FB8] =	sst s10  }
0x38: {  	s10 =	sld [smem:$0x3FB9]  }
0x39: {  	_ = 	snop;
	(pc) =	sbr.ind lr, $3  }
0x3a: {  	_ = 	snop  }
0x3b: {  	_ = 	snop  }
0x3c: {  	p2 =	seq.s32 s10, $0x1;
	s10 =	sld [smem:$0x3FB8]  }
0x3d: {  	_ =	shalt  }
0x3e: {  	_ =	shalt  }
0x3f: {  	_ =	shalt  }
0x40: {  	_ =	shalt  }
0x41: {  	_ =	shalt  }
0x42: {  	_ =	shalt  }
0x43: {  	_ =	shalt  }
0x44: {  	_ =	shalt  }
0x45: {  	_ =	shalt  }
0x46: {  	_ =	shalt  }
0x47: {  	_ =	shalt  }
0x48: {  	_ =	shalt  }
0x49: {  	_ =	shalt  }
0x4a: {  	_ =	shalt  }
0x4b: {  	_ =	shalt  }
0x4c: {  	_ =	shalt  }
0x4d: {  	_ =	shalt  }
0x4e: {  	_ =	shalt  }
0x4f: {  	_ =	shalt  }
0x50: {  	_ =	shalt  }
0x51: {  	_ =	shalt  }
0x52: {  	_ =	shalt  }
0x53: {  	_ =	shalt  }
0x54: {  	_ =	shalt  }
0x55: {  	_ =	shalt  }
0x56: {  	_ =	shalt  }
0x57: {  	_ =	shalt  }
0x58: {  	_ =	shalt  }
0x59: {  	_ =	shalt  }
0x5a: {  	_ =	shalt  }
0x5b: {  	_ =	shalt  }
0x5c: {  	_ =	shalt  }
0x5d: {  	_ =	shalt  }
0x5e: {  	_ =	shalt  }
0x5f: {  	_ =	shalt  }
0x60: {  	_ =	shalt  }
0x61: {  	_ =	shalt  }
0x62: {  	_ =	shalt  }
0x63: {  	_ =	shalt  }
0x64: {  	_ =	shalt  }
0x65: {  	_ =	shalt  }
0x66: {  	_ =	shalt  }
0x67: {  	_ =	shalt  }
0x68: {  	_ =	shalt  }
0x69: {  	_ =	shalt  }
0x6a: {  	_ =	shalt  }
0x6b: {  	_ =	shalt  }
0x6c: {  	_ =	shalt  }
0x6d: {  	_ =	shalt  }
0x6e: {  	_ =	shalt  }
0x6f: {  	_ =	shalt  }
0x70: {  	_ =	shalt  }
0x71: {  	_ =	shalt  }
0x72: {  	_ =	shalt  }
0x73: {  	_ =	shalt  }
0x74: {  	_ =	shalt  }
0x75: {  	_ =	shalt  }
0x76: {  	_ =	shalt  }
0x77: {  	_ =	shalt  }
0x78: {  	_ =	shalt  }
0x79: {  	_ =	shalt  }
0x7a: {  	_ =	shalt  }
0x7b: {  	_ =	shalt  }
0x7c: {  	_ =	shalt  }
0x7d: {  	_ =	shalt  }
0x7e: {  	_ =	shalt  }
0x7f: {  	_ =	shalt  }
0x80: {  	_ =	shalt  }
0x81: {  	_ =	shalt  }
0x82: {  	_ =	shalt  }
0x83: {  	_ =	shalt  }
0x84: {  	_ =	shalt  }
0x85: {  	_ =	shalt  }
0x86: {  	_ =	shalt  }
0x87: {  	_ =	shalt  }
.Lfunc_end0:
.L_simem_size_0:
called_computation_lowered:
.L_overlay_start_0:
0x88: {  	s2 =	sld [smem:$0x3FD9]  }
0x89: {  	s3 =	sld [smem:$0x3FFE];
	_ =	sdelay $0x1  }
0x8a: {  	s1 =	srdreg.scid  }
0x8b: {  	s0 =	sand.u32 $0x1, s1  }
0x8c: {  	s17 =	sshll.u32 s0, $0xA;
	s2 =	sadd.s32 s3, s2  }
0x8d: {  	s2 =	sadd.s32 s2, s17  }
0x8e: {  	[smem:$0x3FC4] =	sst s2  }
0x8f: {  	_ = 	snop  }
0x90: {  	s2 =	sld [smem:$0x3FD0];
	(tm) =	ssettm $0x1  }
0x91: {  	s18 =	sld [smem:$0x3FFB];
	_ =	sdelay $0x3  }
0x92: {  	_ =	strace s18  }
0x93: {  	s3 =	sld [smem:$0x3FFC];
	_ =	sdelay $0x3  }
0x94: {  	_ =	strace s3  }
0x95: {  	s3 =	sld [smem:$0x3FFD];
	_ =	sdelay $0x3  }
0x96: {  	_ =	strace s3  }
0x97: {  	_ =	strace $0x8FFFFFFF  }
0x98: {  	s19 =	sld [smem:$0x3FDB];
	_ =	sdelay $0x1  }
0x99: {  	s4 =	simm.s32 $_scs_section_size  }
0x9a: {  	s5 =	simm.s32 $_size__tile_overlayer_lowered;
	s6 =	simm.s32 $_tile_overlayer_lowered  }
0x9b: {  	s22 =	simm.s32 $0x1BFF;
	s21 =	sshll.u32 s6, $0x1;
	s3 =	sadd.s32 s4, s19  }
0x9c: {  	s7 =	simm.s32 $0x0;
	s20 =	sshll.u32 s5, $0x1;
	s5 =	sadd.s32 s21, s3  }
0x9d: {  	[timem:s7], [sflag:s22] =	dma.local [hbm:s5], s20  }
0x9e: {  	_ =	swait.ge [sflag:s22], s20  }
0x9f: {  	s4 =	ssub.s32 $0x0, s20;
	[sflag:s22] =	ssyncset.done $0x0  }
0xa0: {  	[sflag:s22] =	ssyncadd.s32 s4;
	_ =	sdelay $0x1  }
0xa1: {  	s23 =	simm.s32 $0x1B8B  }
0xa2: {  	_ =	swait.ge [sflag:s23], $0x1  }
0xa3: {  	[sflag:s23] =	ssyncset.done $0x0  }
0xa4: {  	s25 =	simm.s32 $0x1B8E;
	s24 =	sld [smem:$0x3FFE];
	[sflag:s23] =	ssyncadd.s32 $0xFFFFFFFF  }
0xa5: {  	s26 =	simm.s32 $execute0_lowered;
	[smem:$0x3FD2] =	sst s25  }
0xa6: {  	s5 =	sshll.u32 s26, $0x1;
	_ =	strace $0x80000046;
	[dreg:$0x1] =	wrdreg $0xFFFFFFFF  }
0xa7: {  	s28 =	simm.s32 $_size_execute0_lowered;
	s3 =	sadd.s32 s3, s5;
	[dreg:$0x0] =	wrdreg $0x0  }
0xa8: {  	s5 =	sshll.u32 s28, $0x1;
	[dreg:$0x2] =	wrdreg s3  }
0xa9: {  	[dreg:$0x3] =	wrdreg s5  }
0xaa: {  	[dreg:$0x4] =	wrdreg $0xC0  }
0xab: {  	_ =	task [dreg:s7], $0x5FFFF  }
0xac: {  	[dreg:$0x1] =	wrdreg $0xFFFFFFFF  }
0xad: {  	[dreg:$0x0] =	wrdreg $0x60  }
0xae: {  	[dreg:$0x2] =	wrdreg s2  }
0xaf: {  	[dreg:$0x3] =	wrdreg s24  }
0xb0: {  	[dreg:$0x4] =	wrdreg $0x130000  }
0xb1: {  	[dreg:$0x5] =	wrdreg $0x1D0000  }
0xb2: {  	[dreg:$0x6] =	wrdreg $0x9  }
0xb3: {  	_ =	task.clear_ibuf [dreg:s7], $0x7FFFF;
	_ =	strace $0x90000046  }
0xb4: {  	s29 =	simm.s32 $0x9;
	_ =	strace $0x80000048  }
0xb5: {  	_ =	swait.ge [sflag:s29], $0x1  }
0xb6: {  	[sflag:s29] =	ssyncadd.s32 $0xFFFFFFFF  }
0xb7: {  	_ =	strace $0x90000048  }
0xb8: {  	_ =	sfence  }
0xb9: {  	s30 =	sld [smem:$0x0];
	_ =	sdelay $0x2  }
0xba: {  	s31 =	sshll.u32 s1, $0xD;
	s1 =	sshrl.u32 s1, $0x2  }
0xbb: {  	s3 =	sand.u32 $0x4000, s31;
	s1 =	sadd.s32 s1, s30  }
0xbc: {  	s0 =	sor.u32 s3, s0;
	s1 =	sshll.u32 s1, $0x11  }
0xbd: {  	s0 =	sor.u32 s1, s0  }
0xbe: {  	s0 =	sadd.s32 $0x8F2B, s0  }
0xbf: {  	[sflag:s0] =	ssyncadd.remote.s32 $0x1  }
0xc0: {  	_ =	sfence.sel $0xFFFF  }
0xc1: {  	[dreg:$0x0] =	wrdreg $0xFFFFFFFF;
	(pc) =	sbr.abs _section_cstart, $3  }
0xc2: {  	[dreg:$0x1] =	wrdreg $0xFFFFFFFF  }
0xc3: {  	_ =	task.clear_ibuf [dreg:s7], $0x2FFFF;
	_ =	strace $0x9FFFFFFF  }
0xc4: {  	(tm) =	ssettm $0x7FFFFFFF  }
0xc5: {  	_ =	shalt  }
tec
execute0_lowered:
.L_overlay_start_1:
0x0: {  	(tag) =	ssettag $0x1  }
0x1: {  	s0 =	rddreg [dreg:$0x0]  }
0x2: {  	s1 =	rddreg [dreg:$0x1]  }
0x3: {  	s2 =	rddreg [dreg:$0x2]  }
0x4: {  	s3 =	rddreg [dreg:$0x3];
	s11 =	stileid.u32  }
0x5: {  	s6 =	srdreg.scid;
	s4 =	simm.s32 $0x0;
	s28 =	simm.s32 $0x10800  }
0x6: {  	s30 =	simm.s32 $0x80;
	s31 =	simm.s32 $0xA000;
	s5 =	smul.u32 $0xA00, s11  }
0x7: {  	s29 =	simm.s32 $0x4;
	s6 =	sand.u32 $0x1, s6;
	s7 =	smul.u32 $0x2800, s11  }
0x8: {  	[smem:$0x7FF] =	sst s4;
	s9 =	sadd.s32 $0x14A00, s1;
	s20 =	sadd.s32 $0x14E00, s1  }
0x9: {  	s15 =	smul.u32 $0xA000, s11;
	_ =	strace $0x80000047;
	[dreg:$0x5] =	wrdreg s9  }
0xa: {  	s21 =	sadd.s32 $0x14800, s1;
	s8 =	smul.u32 $0x28000, s6;
	[dreg:$0x6] =	wrdreg s20  }
0xb: {  	[dreg:$0x7] =	wrdreg s21;
	s9 =	sadd.s32 $0x15400, s1;
	s14 =	smul.u32 $0x13880, s6  }
0xc: {  	s10 =	ssub.s32 $0x2, s6;
	s18 =	smul.u32 $0xA0000, s6;
	p0 =	sne.s32 s6, $0x0  }
0xd: {  	p1 =	seq.s32 s6, $0x0;
	s6 =	simm.s32 $0x2;
	s5 =	sadd.s32 s5, s1  }
0xe: {  	s22 =	sshrl.u32 s10, $0x1;
	s24 =	sadd.s32 $0x2000, s15;
	s16 =	sadd.s32 $0x4000, s15  }
0xf: {  	s17 =	sadd.s32 $0x6000, s15;
	s25 =	sadd.s32 $0x8000, s15;
	s8 =	sadd.s32 s7, s8  }
0x10: {  	s23 =	sadd.s32 $0xA800, s5;
	s5 =	sadd.s32 $0x800, s5;
	s11 =	sadd.s32 s24, s2  }
0x11: {  	s12 =	sadd.s32 s16, s2;
	s13 =	sadd.s32 s17, s2;
	s14 =	sadd.s32 s0, s14  }
0x12: {  	s19 =	sadd.s32 s15, s18;
	s20 =	sadd.s32 s18, s16;
	s17 =	sadd.s32 s18, s17  }
0x13: {  	s16 =	sadd.s32 s7, s3;
	s7 =	simm.s32 $0x5;
	[dreg:$0x8] =	wrdreg s23  }
0x14: {  	s8 =	sshrl.u32 s8, $0x3;
	[dreg:$0x9] =	wrdreg s5;
	s5 =	sadd.s32 s18, s24  }
0x15: {  	s18 =	sadd.s32 s18, s25;
	s26 =	sshrl.u32 s19, $0x3;
	s21 =	sshrl.u32 s20, $0x3  }
0x16: {  	s1 =	sadd.s32 s8, s1;
	s8 =	ssub.s32 s10, s22;
	s10 =	sadd.s32 s15, s2  }
0x17: {  	s15 =	sadd.s32 s25, s2;
	s0 =	sadd.s32 s9, s26;
	s19 =	sshrl.u32 s5, $0x3  }
0x18: {  	s22 =	sshrl.u32 s17, $0x3;
	[dreg:$0xa] =	wrdreg s0;
	s0 =	sadd.s32 s9, s19  }
0x19: {  	s24 =	sshrl.u32 s18, $0x3;
	s23 =	sadd.s32 s9, s22;
	[dreg:$0xb] =	wrdreg s0  }
0x1a: {  	s5 =	simm.s32 $0x3;
	s25 =	sadd.s32 $0x3D400, s1;
	[dreg:$0xd] =	wrdreg s23  }
0x1b: {  	s26 =	smax.u32 s8, $0x1;
	s1 =	simm.s32 $0x1;
	[dreg:$0xf] =	wrdreg s25  }
0x1c: {  	s8 =	simm.s32 $0x0;
	s0 =	sadd.s32 s9, s21;
	[dreg:$0x10] =	wrdreg s26  }
0x1d: {  	s26 =	simm.s32 $0xE800;
	[dreg:$0xc] =	wrdreg s0;
	s0 =	sadd.s32 s9, s24  }
0x1e: {  	s24 =	simm.s32 $0x6;
	[dreg:$0xe] =	wrdreg s0;
	s0 =	simm.s32 $0xC000  }
.LBB2_1:
0x1f: {  	s9 =	rddreg [dreg:$0x8]  }
0x20: {  	[tilespmem:s4], [sflag:$0x6] =	stream.linear.gather [hbm4b:s9+s4], $0x5000, $0x38;
	[tilespmem:$0x1F800] =	vst v63  }
0x21: {  	_ =	swait.ge [sflag:s24], $0x5000  }
0x22: {  	[sflag:s24] =	ssyncset.done $0x0  }
0x23: {  	s17 =	simm.s32 $0x5000;
	s19 =	rddreg [dreg:$0x9];
	[sflag:s24] =	ssyncadd.s32 $0xFFFFB000  }
0x24: {  	[tilespmem:s17], [sflag:$0x6] =	stream.linear.gather [hbm4b:s19+s4], $0x5000, $0x38;
	[tilespmem:$0x1F800] =	vst v63  }
0x25: {  	_ =	swait.ge [sflag:s24], $0x5000  }
0x26: {  	[sflag:s24] =	ssyncset.done $0x0  }
0x27: {  	s20 =	rddreg [dreg:$0x5];
	[sflag:s24] =	ssyncadd.s32 $0xFFFFB000  }
0x28: {  	[tilespmem:s26], [sflag:$0x6] =	stream.linear.gather [hbm4b:s20+s4], $0x2000, $0x38;
	[tilespmem:$0x1F800] =	vst v63  }
0x29: {  	_ =	swait.ge [sflag:s24], $0x2000  }
0x2a: {  	[sflag:s24] =	ssyncset.done $0x0  }
0x2b: {  	s21 =	rddreg [dreg:$0x6];
	[sflag:s24] =	ssyncadd.s32 $0xFFFFE000  }
0x2c: {  	[tilespmem:s28], [sflag:$0x6] =	stream.linear.gather [hbm4b:s21+s4], $0x2800, $0x38;
	[tilespmem:$0x1F800] =	vst v63  }
0x2d: {  	_ =	swait.ge [sflag:s24], $0x2800  }
0x2e: {  	[sflag:s24] =	ssyncset.done $0x0  }
0x2f: {  	s18 =	simm.s32 $0xE000;
	s22 =	rddreg [dreg:$0x7];
	[sflag:s24] =	ssyncadd.s32 $0xFFFFD800  }
0x30: {  	[tilespmem:s18], [sflag:$0x6] =	stream.linear.gather [hbm4b:s22+s4], $0x800, $0x38;
	[tilespmem:$0x1F800] =	vst v63  }
0x31: {  	_ =	swait.ge [sflag:s24], $0x800  }
0x32: {  	[sflag:s24] =	ssyncset.done $0x0  }
0x33: {  	[sflag:s24] =	ssyncadd.s32 $0xFFFFF800  }
0x34: {  	[spmem:s10] =	stream.linear.scatter [tilespmem:s26], [sflag:$0x6], $0x2000, $0x38;
	[tilespmem:$0x1F800] =	vst v63  }
0x35: {  	_ =	swait.ge [sflag:s24], $0x2000  }
0x36: {  	[sflag:s24] =	ssyncset.done $0x0  }
0x37: {  	[sflag:s24] =	ssyncadd.s32 $0xFFFFE000  }
0x38: {  	[spmem:s11] =	stream.linear.scatter [tilespmem:s26], [sflag:$0x6], $0x2000, $0x38;
	[tilespmem:$0x1F800] =	vst v63  }
0x39: {  	_ =	swait.ge [sflag:s24], $0x2000  }
0x3a: {  	[sflag:s24] =	ssyncset.done $0x0  }
0x3b: {  	[sflag:s24] =	ssyncadd.s32 $0xFFFFE000  }
0x3c: {  	[spmem:s12] =	stream.linear.scatter [tilespmem:s26], [sflag:$0x6], $0x2000, $0x38;
	[tilespmem:$0x1F800] =	vst v63  }
0x3d: {  	_ =	swait.ge [sflag:s24], $0x2000  }
0x3e: {  	[sflag:s24] =	ssyncset.done $0x0  }
0x3f: {  	[sflag:s24] =	ssyncadd.s32 $0xFFFFE000  }
0x40: {  	[spmem:s13] =	stream.linear.scatter [tilespmem:s26], [sflag:$0x6], $0x2000, $0x38;
	[tilespmem:$0x1F800] =	vst v63  }
0x41: {  	_ =	swait.ge [sflag:s24], $0x2000  }
0x42: {  	[sflag:s24] =	ssyncset.done $0x0  }
0x43: {  	[sflag:s24] =	ssyncadd.s32 $0xFFFFE000  }
0x44: {  	[spmem:s15] =	stream.linear.scatter [tilespmem:s26], [sflag:$0x6], $0x2000, $0x38;
	[tilespmem:$0x1F800] =	vst v63  }
0x45: {  	_ =	swait.ge [sflag:s24], $0x2000  }
0x46: {  	[sflag:s24] =	ssyncset.done $0x0  }
0x47: {  	[sflag:s24] =	ssyncadd.s32 $0xFFFFE000  }
0x48: {  	[spmem:s16] =	stream.linear.scatter [tilespmem:s28], [sflag:$0x6], $0x2800, $0x38;
	[tilespmem:$0x1F800] =	vst v63  }
0x49: {  	_ =	swait.ge [sflag:s24], $0x2800  }
0x4a: {  	[sflag:s24] =	ssyncset.done $0x0  }
0x4b: {  	[sflag:s24] =	ssyncadd.s32 $0xFFFFD800  }
0x4c: {  	[bflag:$0x0] =	sbarrier.arrive $0xFFFF  }
0x4d: {  	[tilespmem:s31], [sflag:$0x1] =	stream.indirect.gather [hbm4b:s14+s30], $0x40, s4, s30, $0xb8;
	[tilespmem:$0x1F800] =	vst v63  }
0x4e: {  	_ = 	snop  }
0x4f: {  	[tilespmem:s0], [sflag:$0x2] =	stream.indirect.gather [hbm4b:s14+s30], $0x40, s30, s30, $0xb8;
	[tilespmem:$0x1F800] =	vst v63  }
0x50: {  	_ =	swait.ge [sflag:s1], $0x2000  }
0x51: {  	[sflag:s1] =	ssyncset.done $0x0  }
0x52: {  	s9 =	simm.s32 @p0 $0x3;
	[sflag:s1] =	ssyncadd.s32 $0xFFFFE000  }
0x53: {  	[spmem:s2] =	stream.indirect.scatter.add.f32 [tilespmem:s31], [sflag:$0x3], $0x40, s17, s30, $0xb8;
	[tilespmem:$0x1F800] =	vst v63  }
0x54: {  	_ =	swait.ge @p0 [sflag:s9], $0x2000  }
0x55: {  	s18 =	simm.s32 @p0 $0xA000;
	[sflag:s9] =	ssyncset.done @p0 $0x0  }
0x56: {  	s17 =	simm.s32 @p0 $0x100;
	[sflag:s9] =	ssyncadd.s32 @p0 $0xFFFFE000;
	s9 =	simm.s32 @p0 $0x80  }
0x57: {  	[tilespmem:s18], [sflag:$0x1] =	stream.indirect.gather @p0 [hbm4b:s14+s9], $0x40, s17, s9, $0xb8;
	[tilespmem:$0x1F800] =	vst v63  }
0x58: {  	s17 =	simm.s32 @p0 $0x2  }
0x59: {  	_ =	swait.ge @p0 [sflag:s17], $0x2000  }
0x5a: {  	[sflag:s17] =	ssyncset.done @p0 $0x0  }
0x5b: {  	s18 =	simm.s32 @p0 $0xC000;
	[sflag:s17] =	ssyncadd.s32 @p0 $0xFFFFE000;
	s17 =	simm.s32 @p0 $0x5080  }
0x5c: {  	[spmem:s2] =	stream.indirect.scatter.add.f32 @p0 [tilespmem:s18], [sflag:$0x4], $0x40, s17, s9, $0xb8;
	[tilespmem:$0x1F800] =	vst v63  }
0x5d: {  	s18 =	simm.s32 @p0 $0xE000  }
0x5e: {  	[spmem:s3] =	stream.indirect.scatter.add.f32 @p0 [tilespmem:s18], [sflag:$0x5], $0x10, s17, s9, $0xb8;
	[tilespmem:$0x1F800] =	vst v63  }
0x5f: {  	s17 =	simm.s32 @!p0 $0x80;
	s9 =	simm.s32 @!p0 $0x5000;
	s18 =	simm.s32 @!p0 $0xE000  }
0x60: {  	[spmem:s3] =	stream.indirect.scatter.add.f32 @!p0 [tilespmem:s18], [sflag:$0x5], $0x10, s9, s17, $0xb8;
	[tilespmem:$0x1F800] =	vst v63  }
0x61: {  	s9 =	simm.s32 @!p0 $0x3  }
0x62: {  	_ =	swait.ge @!p0 [sflag:s9], $0x2000  }
0x63: {  	[sflag:s9] =	ssyncset.done @!p0 $0x0  }
0x64: {  	s19 =	simm.s32 @!p0 $0xA000;
	[sflag:s9] =	ssyncadd.s32 @!p0 $0xFFFFE000;
	s9 =	simm.s32 @!p0 $0x100  }
0x65: {  	[tilespmem:s19], [sflag:$0x1] =	stream.indirect.gather @!p0 [hbm4b:s14+s17], $0x40, s9, s17, $0xb8;
	[tilespmem:$0x1F800] =	vst v63  }
0x66: {  	s9 =	simm.s32 @!p0 $0x2  }
0x67: {  	_ =	swait.ge @!p0 [sflag:s9], $0x2000  }
0x68: {  	[sflag:s9] =	ssyncset.done @!p0 $0x0  }
0x69: {  	s19 =	simm.s32 @!p0 $0xC000;
	[sflag:s9] =	ssyncadd.s32 @!p0 $0xFFFFE000;
	s9 =	simm.s32 @!p0 $0x5080  }
0x6a: {  	[spmem:s2] =	stream.indirect.scatter.add.f32 @!p0 [tilespmem:s19], [sflag:$0x4], $0x40, s9, s17, $0xb8;
	[tilespmem:$0x1F800] =	vst v63  }
0x6b: {  	_ =	swait.ge [sflag:s29], $0x2000  }
0x6c: {  	[sflag:s29] =	ssyncset.done $0x0  }
0x6d: {  	s23 =	simm.s32 $0x180;
	[sflag:s29] =	ssyncadd.s32 $0xFFFFE000  }
0x6e: {  	[tilespmem:s0], [sflag:$0x2] =	stream.indirect.gather [hbm4b:s14+s30], $0x40, s23, s30, $0xb8;
	[tilespmem:$0x1F800] =	vst v63  }
0x6f: {  	_ =	swait.ge [sflag:s1], $0x2000  }
0x70: {  	[sflag:s1] =	ssyncset.done $0x0  }
0x71: {  	s19 =	simm.s32 $0x5100;
	s9 =	simm.s32 @!p0 $0x5;
	[sflag:s1] =	ssyncadd.s32 $0xFFFFE000  }
0x72: {  	[spmem:s2] =	stream.indirect.scatter.add.f32 [tilespmem:s31], [sflag:$0x3], $0x40, s19, s30, $0xb8;
	[tilespmem:$0x1F800] =	vst v63  }
0x73: {  	_ =	swait.ge @!p0 [sflag:s9], $0x800  }
0x74: {  	[sflag:s9] =	ssyncset.done @!p0 $0x0  }
0x75: {  	[sflag:s9] =	ssyncadd.s32 @!p0 $0xFFFFF800  }
0x76: {  	[spmem:s3] =	stream.indirect.scatter.add.f32 @!p0 [tilespmem:s18], [sflag:$0x5], $0x10, s19, s17, $0xb8;
	[tilespmem:$0x1F800] =	vst v63  }
0x77: {  	_ =	swait.ge [sflag:s5], $0x2000  }
0x78: {  	[sflag:s5] =	ssyncset.done $0x0  }
0x79: {  	s25 =	simm.s32 $0x200;
	[sflag:s5] =	ssyncadd.s32 $0xFFFFE000  }
0x7a: {  	[tilespmem:s31], [sflag:$0x1] =	stream.indirect.gather [hbm4b:s14+s30], $0x40, s25, s30, $0xb8;
	[tilespmem:$0x1F800] =	vst v63  }
0x7b: {  	_ =	swait.ge [sflag:s6], $0x2000  }
0x7c: {  	[sflag:s6] =	ssyncset.done $0x0  }
0x7d: {  	s19 =	simm.s32 @!p1 $0x5;
	s25 =	simm.s32 $0x5180;
	[sflag:s6] =	ssyncadd.s32 $0xFFFFE000  }
0x7e: {  	[spmem:s2] =	stream.indirect.scatter.add.f32 [tilespmem:s0], [sflag:$0x4], $0x40, s25, s30, $0xb8;
	[tilespmem:$0x1F800] =	vst v63  }
0x7f: {  	_ =	swait.ge @!p1 [sflag:s19], $0x800  }
0x80: {  	s20 =	simm.s32 $0xFFFECC00;
	[sflag:s19] =	ssyncset.done @!p1 $0x0  }
0x81: {  	s21 =	simm.s32 @!p1 $0x80;
	s22 =	simm.s32 @!p1 $0xE000;
	[sflag:s19] =	ssyncadd.s32 @!p1 $0xFFFFF800  }
.LBB2_2:
0x82: {  	[spmem:s3] =	stream.indirect.scatter.add.f32 @!p1 [tilespmem:s22], [sflag:$0x5], $0x10, s25, s21, $0xb8;
	[tilespmem:$0x1F800] =	vst v63  }
0x83: {  	s25 =	smov.u32 s20;
	s20 =	sadd.s32 $0x400, s20;
	_ =	swait.ge [sflag:s29], $0x2000  }
0x84: {  	s25 =	sshra.s32 s25, $0x2;
	p2 =	sne.s32 s20, $0x0;
	[sflag:s29] =	ssyncset.done $0x0  }
0x85: {  	s23 =	sadd.s32 $0x4F80, s25;
	[sflag:s29] =	ssyncadd.s32 $0xFFFFE000  }
0x86: {  	[tilespmem:s0], [sflag:$0x2] =	stream.indirect.gather [hbm4b:s14+s30], $0x40, s23, s30, $0xb8;
	[tilespmem:$0x1F800] =	vst v63  }
0x87: {  	_ =	swait.ge [sflag:s1], $0x2000  }
0x88: {  	[sflag:s1] =	ssyncset.done $0x0  }
0x89: {  	s23 =	sadd.s32 $0x9F00, s25;
	[sflag:s1] =	ssyncadd.s32 $0xFFFFE000  }
0x8a: {  	[spmem:s2] =	stream.indirect.scatter.add.f32 [tilespmem:s31], [sflag:$0x3], $0x40, s23, s30, $0xb8;
	[tilespmem:$0x1F800] =	vst v63  }
0x8b: {  	_ =	swait.ge @!p0 [sflag:s9], $0x800  }
0x8c: {  	[sflag:s9] =	ssyncset.done @!p0 $0x0  }
0x8d: {  	[sflag:s9] =	ssyncadd.s32 @!p0 $0xFFFFF800  }
0x8e: {  	[spmem:s3] =	stream.indirect.scatter.add.f32 @!p0 [tilespmem:s18], [sflag:$0x5], $0x10, s23, s17, $0xb8;
	[tilespmem:$0x1F800] =	vst v63  }
0x8f: {  	_ =	swait.ge [sflag:s5], $0x2000  }
0x90: {  	[sflag:s5] =	ssyncset.done $0x0  }
0x91: {  	s23 =	sadd.s32 $0x5000, s25;
	[sflag:s5] =	ssyncadd.s32 $0xFFFFE000  }
0x92: {  	[tilespmem:s31], [sflag:$0x1] =	stream.indirect.gather [hbm4b:s14+s30], $0x40, s23, s30, $0xb8;
	[tilespmem:$0x1F800] =	vst v63  }
0x93: {  	_ =	swait.ge [sflag:s6], $0x2000  }
0x94: {  	[sflag:s6] =	ssyncset.done $0x0  }
.Ltmp0:
0x95: {  	s25 =	sadd.s32 $0x9F80, s25;
	[sflag:s6] =	ssyncadd.s32 $0xFFFFE000;
	(pc) =	sbr.rel @p2 .LBB2_2-.Ltmp0, $4  }
0x96: {  	[spmem:s2] =	stream.indirect.scatter.add.f32 [tilespmem:s0], [sflag:$0x4], $0x40, s25, s30, $0xb8;
	[tilespmem:$0x1F800] =	vst v63  }
0x97: {  	_ =	swait.ge @!p1 [sflag:s19], $0x800  }
0x98: {  	[sflag:s19] =	ssyncset.done @!p1 $0x0  }
0x99: {  	[sflag:s19] =	ssyncadd.s32 @!p1 $0xFFFFF800  }
0x9a: {  	[spmem:s3] =	stream.indirect.scatter.add.f32 @!p1 [tilespmem:s22], [sflag:$0x5], $0x10, s25, s21, $0xb8;
	[tilespmem:$0x1F800] =	vst v63  }
0x9b: {  	_ =	swait.ge [sflag:s29], $0x2000  }
0x9c: {  	[sflag:s29] =	ssyncset.done $0x0  }
0x9d: {  	s17 =	simm.s32 $0x4F80;
	[sflag:s29] =	ssyncadd.s32 $0xFFFFE000  }
0x9e: {  	[tilespmem:s0], [sflag:$0x2] =	stream.indirect.gather [hbm4b:s14+s30], $0x40, s17, s30, $0xb8;
	[tilespmem:$0x1F800] =	vst v63  }
0x9f: {  	_ =	swait.ge [sflag:s1], $0x2000  }
0xa0: {  	[sflag:s1] =	ssyncset.done $0x0  }
0xa1: {  	s25 =	simm.s32 $0x9F00;
	s17 =	simm.s32 @p0 $0x3;
	[sflag:s1] =	ssyncadd.s32 $0xFFFFE000  }
0xa2: {  	[spmem:s2] =	stream.indirect.scatter.add.f32 [tilespmem:s31], [sflag:$0x3], $0x40, s25, s30, $0xb8;
	[tilespmem:$0x1F800] =	vst v63  }
0xa3: {  	_ =	swait.ge @p0 [sflag:s17], $0x2000  }
0xa4: {  	[sflag:s17] =	ssyncset.done @p0 $0x0  }
0xa5: {  	[sflag:s17] =	ssyncadd.s32 @p0 $0xFFFFE000;
	s17 =	simm.s32 @p0 $0x2  }
0xa6: {  	_ =	swait.ge @p0 [sflag:s17], $0x2000  }
0xa7: {  	s18 =	simm.s32 @p0 $0x9F80;
	[sflag:s17] =	ssyncset.done @p0 $0x0  }
0xa8: {  	s19 =	simm.s32 @p0 $0xC000;
	[sflag:s17] =	ssyncadd.s32 @p0 $0xFFFFE000;
	s17 =	simm.s32 @p0 $0x80  }
0xa9: {  	[spmem:s2] =	stream.indirect.scatter.add.f32 @p0 [tilespmem:s19], [sflag:$0x4], $0x40, s18, s17, $0xb8;
	[tilespmem:$0x1F800] =	vst v63  }
0xaa: {  	s19 =	simm.s32 @p0 $0x5  }
0xab: {  	_ =	swait.ge @p0 [sflag:s19], $0x800  }
0xac: {  	[sflag:s19] =	ssyncset.done @p0 $0x0  }
0xad: {  	[sflag:s19] =	ssyncadd.s32 @p0 $0xFFFFF800;
	s19 =	simm.s32 @p0 $0xE000  }
0xae: {  	[spmem:s3] =	stream.indirect.scatter.add.f32 @p0 [tilespmem:s19], [sflag:$0x5], $0x10, s18, s17, $0xb8;
	[tilespmem:$0x1F800] =	vst v63  }
0xaf: {  	_ =	swait.ge @!p0 [sflag:s9], $0x800  }
0xb0: {  	s17 =	simm.s32 @!p0 $0x9F00;
	[sflag:s9] =	ssyncset.done @!p0 $0x0  }
0xb1: {  	s18 =	simm.s32 @!p0 $0xE000;
	[sflag:s9] =	ssyncadd.s32 @!p0 $0xFFFFF800;
	s9 =	simm.s32 @!p0 $0x80  }
0xb2: {  	[spmem:s3] =	stream.indirect.scatter.add.f32 @!p0 [tilespmem:s18], [sflag:$0x5], $0x10, s17, s9, $0xb8;
	[tilespmem:$0x1F800] =	vst v63  }
0xb3: {  	s17 =	simm.s32 @!p0 $0x3  }
0xb4: {  	_ =	swait.ge @!p0 [sflag:s17], $0x2000  }
0xb5: {  	[sflag:s17] =	ssyncset.done @!p0 $0x0  }
0xb6: {  	[sflag:s17] =	ssyncadd.s32 @!p0 $0xFFFFE000;
	s17 =	simm.s32 @!p0 $0x2  }
0xb7: {  	_ =	swait.ge @!p0 [sflag:s17], $0x2000  }
0xb8: {  	[sflag:s17] =	ssyncset.done @!p0 $0x0  }
0xb9: {  	s18 =	simm.s32 @!p0 $0xC000;
	[sflag:s17] =	ssyncadd.s32 @!p0 $0xFFFFE000;
	s17 =	simm.s32 @!p0 $0x9F80  }
0xba: {  	[spmem:s2] =	stream.indirect.scatter.add.f32 @!p0 [tilespmem:s18], [sflag:$0x4], $0x40, s17, s9, $0xb8;
	[tilespmem:$0x1F800] =	vst v63  }
0xbb: {  	_ =	swait.ge [sflag:s29], $0x2000  }
0xbc: {  	[sflag:s29] =	ssyncset.done $0x0  }
0xbd: {  	[sflag:s29] =	ssyncadd.s32 $0xFFFFE000  }
0xbe: {  	_ =	swait.ge [sflag:s7], $0x800  }
0xbf: {  	[sflag:s7] =	ssyncset.done $0x0  }
0xc0: {  	[sflag:s7] =	ssyncadd.s32 $0xFFFFF800  }
0xc1: {  	[bflag:$0x0] =	sbarrier.arrive $0xFFFF  }
0xc2: {  	[tilespmem:s31], [sflag:$0x6] =	stream.linear.gather [spmem:s10], $0x2000, $0x38;
	[tilespmem:$0x1F800] =	vst v63  }
0xc3: {  	_ =	swait.ge [sflag:s24], $0x2000  }
0xc4: {  	[sflag:s24] =	ssyncset.done $0x0  }
0xc5: {  	s18 =	rddreg [dreg:$0xa];
	[sflag:s24] =	ssyncadd.s32 $0xFFFFE000  }
0xc6: {  	[hbm4b:s18+s4] =	stream.linear.scatter [tilespmem:s31], [sflag:$0x6], $0x2000, $0x38;
	[tilespmem:$0x1F800] =	vst v63  }
0xc7: {  	_ =	swait.ge [sflag:s24], $0x2000  }
0xc8: {  	[sflag:s24] =	ssyncset.done $0x0  }
0xc9: {  	[sflag:s24] =	ssyncadd.s32 $0xFFFFE000  }
0xca: {  	[tilespmem:s31], [sflag:$0x6] =	stream.linear.gather [spmem:s11], $0x2000, $0x38;
	[tilespmem:$0x1F800] =	vst v63  }
0xcb: {  	_ =	swait.ge [sflag:s24], $0x2000  }
0xcc: {  	[sflag:s24] =	ssyncset.done $0x0  }
0xcd: {  	s19 =	rddreg [dreg:$0xb];
	[sflag:s24] =	ssyncadd.s32 $0xFFFFE000  }
0xce: {  	[hbm4b:s19+s4] =	stream.linear.scatter [tilespmem:s31], [sflag:$0x6], $0x2000, $0x38;
	[tilespmem:$0x1F800] =	vst v63  }
0xcf: {  	_ =	swait.ge [sflag:s24], $0x2000  }
0xd0: {  	[sflag:s24] =	ssyncset.done $0x0  }
0xd1: {  	[sflag:s24] =	ssyncadd.s32 $0xFFFFE000  }
0xd2: {  	[tilespmem:s31], [sflag:$0x6] =	stream.linear.gather [spmem:s12], $0x2000, $0x38;
	[tilespmem:$0x1F800] =	vst v63  }
0xd3: {  	_ =	swait.ge [sflag:s24], $0x2000  }
0xd4: {  	[sflag:s24] =	ssyncset.done $0x0  }
0xd5: {  	s20 =	rddreg [dreg:$0xc];
	[sflag:s24] =	ssyncadd.s32 $0xFFFFE000  }
0xd6: {  	[hbm4b:s20+s4] =	stream.linear.scatter [tilespmem:s31], [sflag:$0x6], $0x2000, $0x38;
	[tilespmem:$0x1F800] =	vst v63  }
0xd7: {  	_ =	swait.ge [sflag:s24], $0x2000  }
0xd8: {  	[sflag:s24] =	ssyncset.done $0x0  }
0xd9: {  	[sflag:s24] =	ssyncadd.s32 $0xFFFFE000  }
0xda: {  	[tilespmem:s31], [sflag:$0x6] =	stream.linear.gather [spmem:s13], $0x2000, $0x38;
	[tilespmem:$0x1F800] =	vst v63  }
0xdb: {  	_ =	swait.ge [sflag:s24], $0x2000  }
0xdc: {  	[sflag:s24] =	ssyncset.done $0x0  }
0xdd: {  	s21 =	rddreg [dreg:$0xd];
	[sflag:s24] =	ssyncadd.s32 $0xFFFFE000  }
0xde: {  	[hbm4b:s21+s4] =	stream.linear.scatter [tilespmem:s31], [sflag:$0x6], $0x2000, $0x38;
	[tilespmem:$0x1F800] =	vst v63  }
0xdf: {  	_ =	swait.ge [sflag:s24], $0x2000  }
0xe0: {  	[sflag:s24] =	ssyncset.done $0x0  }
0xe1: {  	[sflag:s24] =	ssyncadd.s32 $0xFFFFE000  }
0xe2: {  	[tilespmem:s31], [sflag:$0x6] =	stream.linear.gather [spmem:s15], $0x2000, $0x38;
	[tilespmem:$0x1F800] =	vst v63  }
0xe3: {  	_ =	swait.ge [sflag:s24], $0x2000  }
0xe4: {  	[sflag:s24] =	ssyncset.done $0x0  }
0xe5: {  	s22 =	rddreg [dreg:$0xe];
	[sflag:s24] =	ssyncadd.s32 $0xFFFFE000  }
0xe6: {  	[hbm4b:s22+s4] =	stream.linear.scatter [tilespmem:s31], [sflag:$0x6], $0x2000, $0x38;
	[tilespmem:$0x1F800] =	vst v63  }
0xe7: {  	_ =	swait.ge [sflag:s24], $0x2000  }
0xe8: {  	[sflag:s24] =	ssyncset.done $0x0  }
0xe9: {  	[sflag:s24] =	ssyncadd.s32 $0xFFFFE000  }
0xea: {  	[tilespmem:s28], [sflag:$0x6] =	stream.linear.gather [spmem:s16], $0x2800, $0x38;
	[tilespmem:$0x1F800] =	vst v63  }
0xeb: {  	_ =	swait.ge [sflag:s24], $0x2800  }
0xec: {  	[sflag:s24] =	ssyncset.done $0x0  }
0xed: {  	s23 =	rddreg [dreg:$0xf];
	[sflag:s24] =	ssyncadd.s32 $0xFFFFD800  }
0xee: {  	[hbm4b:s23+s4] =	stream.linear.scatter [tilespmem:s28], [sflag:$0x6], $0x2800, $0x38;
	[tilespmem:$0x1F800] =	vst v63  }
0xef: {  	_ =	swait.ge [sflag:s24], $0x2800  }
0xf0: {  	s8 =	sadd.s32 $0x1, s8;
	s25 =	rddreg [dreg:$0x10]  }
0xf1: {  	p2 =	sne.s32 s8, s25  }
.Ltmp1:
0xf2: {  	_ = 	snop;
	(pc) =	sbr.rel @p2 .LBB2_1-.Ltmp1, $3  }
0xf3: {  	_ =	sdelay $0x1  }
0xf4: {  	[sflag:s24] =	ssyncset.done $0x0  }
0xf5: {  	[sflag:s24] =	ssyncadd.s32 $0xFFFFD800  }
0xf6: {  	_ =	sfence.sel $0x180000  }
0xf7: {  	[bflag:$0x0] =	sbarrier.arrive $0xFFFF  }
0xf8: {  	_ =	strace $0x90000047  }
0xf9: {  	s0 =	stileid.u32;
	[bflag:$0x2] =	sbarrier.arrive $0xFFFF  }
0xfa: {  	p0 =	sne.s32 s0, $0x0;
	s0 =	rddreg [dreg:$0x4]  }
0xfb: {  	s0 =	sadd.s32 @!p0 $0x100000, s0  }
0xfc: {  	[sflag:s0] =	ssyncadd.tile.s32 @!p0 $0x1;
	_ =	shalt  }
.Lfunc_end2:
_tile_overlayer_lowered:
.L_overlay_start_2:
0xfd: {  	(tag) =	ssettag $0x2  }
0xfe: {  	s0 =	rddreg [dreg:$0x0];
	s2 =	stileid.u32  }
0xff: {  	s1 =	rddreg [dreg:$0x1];
	p0 =	sne.s32 s2, $0x0  }
0x100: {  	s3 =	rddreg [dreg:$0x2];
	[bflag:$0x3] =	sbarrier.arrive $0xFFFF;
	s2 =	simm.s32 @!p0 $0x1C06  }
0x101: {  	[timem:s3], [sflag:s2] =	dma.local @!p0 [hbm:s0], s1  }
0x102: {  	s0 =	simm.s32 @!p0 $0x6  }
0x103: {  	_ =	swait.ge @!p0 [sflag:s0], s1  }
0x104: {  	s1 =	ssub.s32 @!p0 $0x0, s1;
	[sflag:s0] =	ssyncset.done @!p0 $0x0  }
0x105: {  	[sflag:s0] =	ssyncadd.s32 @!p0 s1  }
0x106: {  	[bflag:$0x3] =	sbarrier.arrive $0xFFFF  }
0x107: {  	_ =	shalt  }

</sc_bundles>
